<compile_context>
chip_gen: v7x
topology: tpu7x:2x2x1
jax: 0.10.2.dev20260603
libtpu: 0.0.44.dev20260713+nightly
codegen_flags: <defaults>
</compile_context>

<pallas_src>
import functools

import jax
import jax.numpy as jnp
from jax import lax
from jax.experimental import pallas as pl
from jax.experimental.pallas import tpu as pltpu
from jax.experimental.pallas import tpu_sc as plsc

T = 2048
D = 768
F = 768
E = 8
SCALE = 2.5

TMA = 256
TM = 512
TM_SHIFT = 9
NT = T * 2 // TM + E
NP = NT * TM


def _router_kernel(x_ref, gw_ref, tri_ref,
                   e0_ref, e1_ref, r0_ref, r1_ref,
                   w0_ref, w1_ref, cnt_ref, counters):
    i = pl.program_id(0)
    x = x_ref[...]

    @pl.when(i == 0)
    def _init():
        counters[...] = jnp.zeros_like(counters)

    s = jax.nn.sigmoid(lax.dot_general(x, gw_ref[...], (((1,), (1,)), ((), ())),
                                       preferred_element_type=jnp.float32))
    cols = lax.broadcasted_iota(jnp.int32, (TMA, E), 1)
    v1 = jnp.max(s, axis=1, keepdims=True)
    m1 = jnp.min(jnp.where(s == v1, cols, E), axis=1, keepdims=True)
    s2 = jnp.where(cols == m1, -jnp.inf, s)
    v2 = jnp.max(s2, axis=1, keepdims=True)
    den = v1 + v2 + 1e-20
    w0_ref[...] = jnp.broadcast_to(SCALE * v1 / den, (TMA, 128))
    w1_ref[...] = jnp.broadcast_to(SCALE * v2 / den, (TMA, 128))

    st = jax.nn.sigmoid(lax.dot_general(gw_ref[...], x, (((1,), (1,)), ((), ())),
                                        preferred_element_type=jnp.float32))
    rows = lax.broadcasted_iota(jnp.int32, (E, TMA), 0)
    v1t = jnp.max(st, axis=0, keepdims=True)
    m1t = jnp.min(jnp.where(st == v1t, rows, E), axis=0, keepdims=True)
    oh1 = rows == m1t
    st2 = jnp.where(oh1, -jnp.inf, st)
    v2t = jnp.max(st2, axis=0, keepdims=True)
    m2t = jnp.min(jnp.where(st2 == v2t, rows, E), axis=0, keepdims=True)
    oh2 = rows == m2t

    cnt = oh1.astype(jnp.float32) + oh2.astype(jnp.float32)
    excl = lax.dot_general(cnt, tri_ref[...], (((1,), (0,)), ((), ())),
                           preferred_element_type=jnp.float32)
    cbase = counters[...].astype(jnp.float32)[:E]
    glob = excl + jnp.broadcast_to(cbase, (E, TMA))
    r0 = jnp.sum(jnp.where(oh1, glob, 0.0), axis=0, keepdims=True)
    r1 = jnp.sum(jnp.where(oh2, glob, 0.0), axis=0, keepdims=True)
    e0_ref[...] = m1t.astype(jnp.int32).reshape(1, 1, TMA)
    e1_ref[...] = m2t.astype(jnp.int32).reshape(1, 1, TMA)
    r0_ref[...] = r0.astype(jnp.int32).reshape(1, 1, TMA)
    r1_ref[...] = r1.astype(jnp.int32).reshape(1, 1, TMA)

    new_counters = counters[...] + jnp.concatenate(
        [jnp.sum(cnt, axis=1, keepdims=True).astype(jnp.int32),
         jnp.zeros((16 - E, 1), jnp.int32)], axis=0)
    counters[...] = new_counters
    cnt_ref[...] = jnp.broadcast_to(new_counters, (16, 128)).reshape(1, 16, 128)


def _shared_kernel(x_ref, shg_ref, shu_ref, shd_ref, shr_ref):
    x = x_ref[...]
    sg = lax.dot_general(x, shg_ref[...], (((1,), (1,)), ((), ())),
                         preferred_element_type=jnp.float32)
    su = lax.dot_general(x, shu_ref[...], (((1,), (1,)), ((), ())),
                         preferred_element_type=jnp.float32)
    h = (sg * jax.nn.sigmoid(sg)) * su
    shr_ref[...] = lax.dot_general(h, shd_ref[...], (((1,), (1,)), ((), ())),
                                   preferred_element_type=jnp.float32)


def _stage_shared(x, sh_gate, sh_up, sh_down):
    n = T // TMA
    return pl.pallas_call(
        _shared_kernel,
        grid=(n,),
        in_specs=[
            pl.BlockSpec((TMA, D), lambda i: (i, 0)),
            pl.BlockSpec((F, D), lambda i: (0, 0)),
            pl.BlockSpec((F, D), lambda i: (0, 0)),
            pl.BlockSpec((D, F), lambda i: (0, 0)),
        ],
        out_specs=pl.BlockSpec((TMA, D), lambda i: (i, 0)),
        out_shape=jax.ShapeDtypeStruct((T, D), jnp.float32),
        compiler_params=pltpu.CompilerParams(
            dimension_semantics=("parallel",)),
    )(x, sh_gate, sh_up, sh_down)


def _stage_a(x, gate_w):
    n = T // TMA
    outs = pl.pallas_call(
        _router_kernel,
        grid=(n,),
        in_specs=[
            pl.BlockSpec((TMA, D), lambda i: (i, 0)),
            pl.BlockSpec((E, D), lambda i: (0, 0)),
            pl.BlockSpec((TMA, TMA), lambda i: (0, 0)),
        ],
        out_specs=[
            pl.BlockSpec((1, 1, TMA), lambda i: (i, 0, 0)),
            pl.BlockSpec((1, 1, TMA), lambda i: (i, 0, 0)),
            pl.BlockSpec((1, 1, TMA), lambda i: (i, 0, 0)),
            pl.BlockSpec((1, 1, TMA), lambda i: (i, 0, 0)),
            pl.BlockSpec((TMA, 128), lambda i: (i, 0)),
            pl.BlockSpec((TMA, 128), lambda i: (i, 0)),
            pl.BlockSpec((1, 16, 128), lambda i: (0, 0, 0)),
        ],
        out_shape=[
            jax.ShapeDtypeStruct((n, 1, TMA), jnp.int32),
            jax.ShapeDtypeStruct((n, 1, TMA), jnp.int32),
            jax.ShapeDtypeStruct((n, 1, TMA), jnp.int32),
            jax.ShapeDtypeStruct((n, 1, TMA), jnp.int32),
            jax.ShapeDtypeStruct((T, 128), jnp.float32),
            jax.ShapeDtypeStruct((T, 128), jnp.float32),
            jax.ShapeDtypeStruct((1, 16, 128), jnp.int32),
        ],
        scratch_shapes=[pltpu.VMEM((16, 1), jnp.int32)],
        compiler_params=pltpu.CompilerParams(
            dimension_semantics=("arbitrary",)),
    )(x, gate_w, jnp.triu(jnp.ones((TMA, TMA), jnp.float32), 1))
    return outs


_SC_MESH = plsc.VectorSubcoreMesh(core_axis_name="c", subcore_axis_name="s")
_NWORK = 32
_CHUNK = T // _NWORK
_NMV = (NT + 15) // 16


def _iota16():
    return lax.broadcasted_iota(jnp.int32, (16,), 0)


@functools.partial(
    pl.kernel,
    out_type=[
        jax.ShapeDtypeStruct((NP, D), jnp.float32),
        jax.ShapeDtypeStruct((T,), jnp.int32),
        jax.ShapeDtypeStruct((T,), jnp.int32),
        jax.ShapeDtypeStruct((128,), jnp.int32),
    ],
    mesh=_SC_MESH,
    scratch_types=[
        pltpu.VMEM((16, 128), jnp.int32),
        pltpu.VMEM((_CHUNK,), jnp.int32),
        pltpu.VMEM((_CHUNK,), jnp.int32),
        pltpu.VMEM((_CHUNK,), jnp.int32),
        pltpu.VMEM((_CHUNK,), jnp.int32),
        pltpu.VMEM((_CHUNK,), jnp.int32),
        pltpu.VMEM((_CHUNK,), jnp.int32),
        pltpu.VMEM((_CHUNK, D), jnp.float32),
        pltpu.VMEM((16 * _NMV,), jnp.int32),
        pltpu.VMEM((16 * _NMV,), jnp.int32),
        pltpu.SemaphoreType.DMA,
        pltpu.SemaphoreType.DMA,
        pltpu.SemaphoreType.DMA,
        pltpu.SemaphoreType.DMA,
        pltpu.SemaphoreType.DMA,
    ],
)
def _stage_b(x_hbm, e0_hbm, e1_hbm, r0_hbm, r1_hbm, cnt_hbm,
             xs_hbm, pos0_hbm, pos1_hbm, meta_hbm,
             cstage, ev, rv, ev2, rv2, p0v, p1v, xrows, mstage, mstage2,
             sem, sem2, sem3, semb0, semb1):
    wid = lax.axis_index("s") * 2 + lax.axis_index("c")
    base = wid * _CHUNK
    xcp = pltpu.async_copy(x_hbm.at[pl.ds(base, _CHUNK)], xrows, sem3)

    pltpu.sync_copy(cnt_hbm.at[0], cstage)
    gstart = []
    run = jnp.zeros((16,), jnp.int32)
    for e in range(E):
        gstart.append(run)
        ce = cstage[e, pl.ds(0, 16)]
        run = run + (((ce + (TM - 1)) >> TM_SHIFT) << TM_SHIFT)
    gstart.append(run)

    ld0 = pltpu.async_copy(e0_hbm.at[pl.ds(base, _CHUNK)], ev, sem)
    ld1 = pltpu.async_copy(r0_hbm.at[pl.ds(base, _CHUNK)], rv, sem2)
    ld2 = pltpu.async_copy(e1_hbm.at[pl.ds(base, _CHUNK)], ev2, semb0)
    ld3 = pltpu.async_copy(r1_hbm.at[pl.ds(base, _CHUNK)], rv2, semb1)

    def positions(evr, rvr, dst):
        for j in range(_CHUNK // 16):
            sl = pl.ds(j * 16, 16)
            evj = evr[sl]
            p = rvr[sl]
            for e in range(E):
                p = p + jnp.where(evj == e, gstart[e], 0)
            dst[sl] = p

    ld0.wait()
    ld1.wait()
    positions(ev, rv, p0v)
    ld2.wait()
    ld3.wait()
    positions(ev2, rv2, p1v)
    st0 = pltpu.async_copy(p0v, pos0_hbm.at[pl.ds(base, _CHUNK)], sem)
    st1 = pltpu.async_copy(p1v, pos1_hbm.at[pl.ds(base, _CHUNK)], sem2)

    xcp.wait()
    st0.wait()
    st1.wait()
    s0 = pltpu.async_copy(xrows, xs_hbm.at[p0v], sem)
    s1 = pltpu.async_copy(xrows, xs_hbm.at[p1v], sem2)

    for v in range(_NMV):
        row = (_iota16() + v * 16) * TM
        te = jnp.zeros((16,), jnp.int32)
        for e in range(E):
            te += jnp.where(row >= gstart[e + 1], 1, 0)
        mstage[pl.ds(v * 16, 16)] = jnp.minimum(te, E - 1)

    @pl.when(wid == 0)
    def _store_te():
        pltpu.sync_copy(mstage, meta_hbm.at[pl.ds(0, 16 * _NMV)])

    for v in range(_NMV):
        row = (_iota16() + v * 16) * TM
        live = jnp.where(row < gstart[E], 1, 0)
        mstage2[pl.ds(v * 16, 16)] = live

    @pl.when(wid == 0)
    def _store_live():
        pltpu.sync_copy(mstage2, meta_hbm.at[pl.ds(64, 16 * _NMV)])

    s0.wait()
    s1.wait()


def _group_ffn_kernel(meta_ref, xs_ref, wg_ref, wu_ref, wd_ref, y_ref):
    i = pl.program_id(0)

    @pl.when(meta_ref[64 + i] == 1)
    def _compute():
        xb = xs_ref[...]
        hg = lax.dot_general(xb, wg_ref[0], (((1,), (1,)), ((), ())),
                             preferred_element_type=jnp.float32)
        hu = lax.dot_general(xb, wu_ref[0], (((1,), (1,)), ((), ())),
                             preferred_element_type=jnp.float32)
        h = (hg * jax.nn.sigmoid(hg)) * hu
        y_ref[...] = lax.dot_general(h, wd_ref[0], (((1,), (1,)), ((), ())),
                                     preferred_element_type=jnp.float32)


def _stage_c(meta, xs, w_gate, w_up, w_down):
    return pl.pallas_call(
        _group_ffn_kernel,
        grid_spec=pltpu.PrefetchScalarGridSpec(
            num_scalar_prefetch=1,
            grid=(NT,),
            in_specs=[
                pl.BlockSpec((TM, D), lambda i, m: (i, 0)),
                pl.BlockSpec((1, F, D), lambda i, m: (m[i], 0, 0)),
                pl.BlockSpec((1, F, D), lambda i, m: (m[i], 0, 0)),
                pl.BlockSpec((1, D, F), lambda i, m: (m[i], 0, 0)),
            ],
            out_specs=pl.BlockSpec((TM, D), lambda i, m: (i, 0)),
        ),
        out_shape=jax.ShapeDtypeStruct((NP, D), jnp.float32),
        compiler_params=pltpu.CompilerParams(
            dimension_semantics=("parallel",)),
    )(meta, xs, w_gate, w_up, w_down)


@functools.partial(
    pl.kernel,
    out_type=[
        jax.ShapeDtypeStruct((T, D), jnp.float32),
        jax.ShapeDtypeStruct((T, D), jnp.float32),
    ],
    mesh=_SC_MESH,
    scratch_types=[
        pltpu.VMEM((_CHUNK,), jnp.int32),
        pltpu.VMEM((_CHUNK,), jnp.int32),
        pltpu.VMEM((_CHUNK, D), jnp.float32),
        pltpu.VMEM((_CHUNK, D), jnp.float32),
        pltpu.SemaphoreType.DMA,
        pltpu.SemaphoreType.DMA,
    ],
)
def _stage_d(y_hbm, pos0_hbm, pos1_hbm, g0_hbm, g1_hbm,
             idxv, idxv2, rows, rows2, sem, sem2):
    wid = lax.axis_index("s") * 2 + lax.axis_index("c")
    base = wid * _CHUNK
    l0 = pltpu.async_copy(pos0_hbm.at[pl.ds(base, _CHUNK)], idxv, sem)
    l1 = pltpu.async_copy(pos1_hbm.at[pl.ds(base, _CHUNK)], idxv2, sem2)
    l0.wait()
    g0 = pltpu.async_copy(y_hbm.at[idxv], rows, sem)
    l1.wait()
    g1 = pltpu.async_copy(y_hbm.at[idxv2], rows2, sem2)
    g0.wait()
    w0 = pltpu.async_copy(rows, g0_hbm.at[pl.ds(base, _CHUNK)], sem)
    g1.wait()
    w1 = pltpu.async_copy(rows2, g1_hbm.at[pl.ds(base, _CHUNK)], sem2)
    w0.wait()
    w1.wait()


def _combine_kernel(g0_ref, g1_ref, shr_ref, w0_ref, w1_ref, out_ref):
    w0 = w0_ref[:, :1]
    w1 = w1_ref[:, :1]
    out_ref[...] = w0 * g0_ref[...] + w1 * g1_ref[...] + shr_ref[...]


def _stage_e(g0, g1, shr, w0b, w1b):
    n = T // TMA
    return pl.pallas_call(
        _combine_kernel,
        grid=(n,),
        in_specs=[
            pl.BlockSpec((TMA, D), lambda i: (i, 0)),
            pl.BlockSpec((TMA, D), lambda i: (i, 0)),
            pl.BlockSpec((TMA, D), lambda i: (i, 0)),
            pl.BlockSpec((TMA, 128), lambda i: (i, 0)),
            pl.BlockSpec((TMA, 128), lambda i: (i, 0)),
        ],
        out_specs=pl.BlockSpec((TMA, D), lambda i: (i, 0)),
        out_shape=jax.ShapeDtypeStruct((T, D), jnp.float32),
        compiler_params=pltpu.CompilerParams(
            dimension_semantics=("parallel",)),
    )(g0, g1, shr, w0b, w1b)


def kernel(hidden_states, gate_w, w_gate, w_up, w_down, sh_gate, sh_up, sh_down):
    x = hidden_states.reshape(T, D)
    (e0, e1, r0, r1, w0b, w1b, counts) = _stage_a(x, gate_w)
    e0 = e0.reshape(T)
    e1 = e1.reshape(T)
    r0 = r0.reshape(T)
    r1 = r1.reshape(T)
    xs, pos0, pos1, meta = _stage_b(x, e0, e1, r0, r1, counts)
    shr = _stage_shared(x, sh_gate, sh_up, sh_down)
    y = _stage_c(meta, xs, w_gate, w_up, w_down)
    g0, g1 = _stage_d(y, pos0, pos1)
    return _stage_e(g0, g1, shr, w0b, w1b)

# --- scband reference (transcript-rebuilt; emitter-appended) ---
"""Pipeline reference for scband-glm4-moe-mo-e-59133109731630 (READ-ONLY COPY).

The authoritative reference and input builder live on the scoring server;
editing this copy changes nothing except your own understanding.
"""

import jax, jax.numpy as jnp
import numpy as np

T = 2048   # tokens (batch=1 * seq_len=2048)
D = 768    # hidden_size
F = 768    # moe_intermediate_size (shared expert size = F * n_shared_experts = 768)
E = 8      # n_routed_experts
K = 2      # num_experts_per_tok
SCALE = 2.5  # routed_scaling_factor


def setup_inputs(seed: int = 0) -> dict:
    key = jax.random.key(seed)
    ks = jax.random.split(key, 8)
    def init(k, shape, fan_in):
        return jax.random.normal(k, shape, dtype=jnp.float32) * (fan_in ** -0.5)
    return {
        "hidden_states": jax.random.normal(ks[0], (T, D), dtype=jnp.float32),
        "gate_w": init(ks[1], (E, D), D),        # router gate: Linear(D -> E), no bias
        "w_gate": init(ks[2], (E, F, D), D),     # per-expert gate_proj
        "w_up": init(ks[3], (E, F, D), D),       # per-expert up_proj
        "w_down": init(ks[4], (E, D, F), F),     # per-expert down_proj
        "sh_gate": init(ks[5], (F, D), D),       # shared expert gate_proj
        "sh_up": init(ks[6], (F, D), D),         # shared expert up_proj
        "sh_down": init(ks[7], (D, F), F),       # shared expert down_proj
    }


def reference(hidden_states, gate_w, w_gate, w_up, w_down, sh_gate, sh_up, sh_down):
    x = hidden_states.reshape(-1, D)
    # router: logits in float32, sigmoid scoring (GLM4-MoE / DeepSeek-V3 style)
    router_logits = x.astype(jnp.float32) @ gate_w.T            # [T, E]
    scores = jax.nn.sigmoid(router_logits)
    topk_vals, topk_idx = jax.lax.top_k(scores, K)              # [T, K]
    denom = jnp.sum(topk_vals, axis=-1, keepdims=True) + 1e-20  # norm_topk_prob
    topk_w = topk_vals / denom
    rows = jnp.arange(T)[:, None]
    combine = jnp.zeros((T, E), jnp.float32).at[rows, topk_idx].set(topk_w)  # [T, E]
    # routed experts (dense evaluation, masked/weighted combine)
    hg = jnp.einsum('td,efd->tef', x, w_gate)                   # [T, E, F]
    hu = jnp.einsum('td,efd->tef', x, w_up)
    h = jax.nn.silu(hg) * hu
    expert_out = jnp.einsum('tef,edf->ted', h, w_down)          # [T, E, D]
    routed = jnp.einsum('ted,te->td', expert_out, combine)      # [T, D]
    # shared expert
    sg = x @ sh_gate.T
    su = x @ sh_up.T
    shared = (jax.nn.silu(sg) * su) @ sh_down.T                 # [T, D]
    final = routed * SCALE + shared
    return final

if __name__ == "__main__":
    import jax
    _d = setup_inputs()
    print(jax.jit(kernel)(*tuple(_d.values())))

</pallas_src>

<mosaic_0001>
#map = affine_map<(d0, d1) -> (0, 0)>
#map1 = affine_map<(d0, d1) -> (0)>
module attributes {stable_mosaic.version = 14 : i64} {
  func.func @_stage_d(%arg0: i32, %arg1: i32, %arg2: memref<8192x768xf32, #tpu.memory_space<hbm>>, %arg3: memref<2048xi32, #tpu.memory_space<hbm>>, %arg4: memref<2048xi32, #tpu.memory_space<hbm>>, %arg5: memref<2048x768xf32, #tpu.memory_space<hbm>>, %arg6: memref<2048x768xf32, #tpu.memory_space<hbm>>, %arg7: memref<64xi32, #tpu.memory_space<vmem>>, %arg8: memref<64xi32, #tpu.memory_space<vmem>>, %arg9: memref<64x768xf32, #tpu.memory_space<vmem>>, %arg10: memref<64x768xf32, #tpu.memory_space<vmem>>, %arg11: memref<!tpu.dma_semaphore, #tpu.memory_space<semaphore_mem>>, %arg12: memref<!tpu.dma_semaphore, #tpu.memory_space<semaphore_mem>>) attributes {dimension_semantics = [#tpu.dimension_semantics<core_parallel>, #tpu.dimension_semantics<subcore_parallel>], iteration_bounds = array<i64: 2, 16>, scalar_prefetch = 0 : i64, scratch_operands = 6 : i64, tpu.core_type = #tpu.core_type<sc_vector_subcore>, window_params = [{transform_indices = #map}, {transform_indices = #map1}, {transform_indices = #map1}, {transform_indices = #map}, {transform_indices = #map}]} {
    %mul3A = arith.constant 2 : i32
    %mul3A_0 = arith.muli %arg1, %mul3A : i32
    %add3A = arith.addi %mul3A_0, %arg0 : i32
    %mul3A_1 = arith.constant 64 : i32
    %mul3A_2 = arith.muli %add3A, %mul3A_1 : i32
    %dma_start3A = tpu.memref_slice %arg3[%mul3A_2] : memref<2048xi32, #tpu.memory_space<hbm>> -> memref<64xi32, #tpu.memory_space<hbm>>
    %dma_start3A_3 = tpu.memref_slice %arg3[%mul3A_2] : memref<2048xi32, #tpu.memory_space<hbm>> -> memref<64xi32, #tpu.memory_space<hbm>>
    tpu.enqueue_dma source(%dma_start3A_3 : memref<64xi32, #tpu.memory_space<hbm>>) target(%arg7 : memref<64xi32, #tpu.memory_space<vmem>>) target_semaphore(%arg11 : memref<!tpu.dma_semaphore, #tpu.memory_space<semaphore_mem>>)
    %dma_start3A_4 = tpu.memref_slice %arg4[%mul3A_2] : memref<2048xi32, #tpu.memory_space<hbm>> -> memref<64xi32, #tpu.memory_space<hbm>>
    %dma_start3A_5 = tpu.memref_slice %arg4[%mul3A_2] : memref<2048xi32, #tpu.memory_space<hbm>> -> memref<64xi32, #tpu.memory_space<hbm>>
    tpu.enqueue_dma source(%dma_start3A_5 : memref<64xi32, #tpu.memory_space<hbm>>) target(%arg8 : memref<64xi32, #tpu.memory_space<vmem>>) target_semaphore(%arg12 : memref<!tpu.dma_semaphore, #tpu.memory_space<semaphore_mem>>)
    %dma_wait3A = tpu.memref_slice %arg3[%mul3A_2] : memref<2048xi32, #tpu.memory_space<hbm>> -> memref<64xi32, #tpu.memory_space<hbm>>
    %dma_wait3A_6 = tpu.memref_slice %arg3[%mul3A_2] : memref<2048xi32, #tpu.memory_space<hbm>> -> memref<64xi32, #tpu.memory_space<hbm>>
    tpu.wait_dma2 semaphore(%arg11 : memref<!tpu.dma_semaphore, #tpu.memory_space<semaphore_mem>>) src(%dma_wait3A_6 : memref<64xi32, #tpu.memory_space<hbm>>) dst(%arg7 : memref<64xi32, #tpu.memory_space<vmem>>)
    %dma_start3A_7 = arith.constant 0 : i32
    %dma_start3A_8 = arith.constant 0 : i32
    %dma_start3A_9 = tpu.memref_slice %arg2[%dma_start3A_7, %dma_start3A_8] : memref<8192x768xf32, #tpu.memory_space<hbm>> -> memref<8192x768xf32, #tpu.memory_space<hbm>>
    tpu.enqueue_indirect_dma source(%dma_start3A_9 : memref<8192x768xf32, #tpu.memory_space<hbm>>) target(%arg9 : memref<64x768xf32, #tpu.memory_space<vmem>>) offsets(%arg7 : memref<64xi32, #tpu.memory_space<vmem>>) semaphore(%arg11 : memref<!tpu.dma_semaphore, #tpu.memory_space<semaphore_mem>>)
    %dma_wait3A_10 = tpu.memref_slice %arg4[%mul3A_2] : memref<2048xi32, #tpu.memory_space<hbm>> -> memref<64xi32, #tpu.memory_space<hbm>>
    %dma_wait3A_11 = tpu.memref_slice %arg4[%mul3A_2] : memref<2048xi32, #tpu.memory_space<hbm>> -> memref<64xi32, #tpu.memory_space<hbm>>
    tpu.wait_dma2 semaphore(%arg12 : memref<!tpu.dma_semaphore, #tpu.memory_space<semaphore_mem>>) src(%dma_wait3A_11 : memref<64xi32, #tpu.memory_space<hbm>>) dst(%arg8 : memref<64xi32, #tpu.memory_space<vmem>>)
    %dma_start3A_12 = arith.constant 0 : i32
    %dma_start3A_13 = arith.constant 0 : i32
    %dma_start3A_14 = tpu.memref_slice %arg2[%dma_start3A_12, %dma_start3A_13] : memref<8192x768xf32, #tpu.memory_space<hbm>> -> memref<8192x768xf32, #tpu.memory_space<hbm>>
    tpu.enqueue_indirect_dma source(%dma_start3A_14 : memref<8192x768xf32, #tpu.memory_space<hbm>>) target(%arg10 : memref<64x768xf32, #tpu.memory_space<vmem>>) offsets(%arg8 : memref<64xi32, #tpu.memory_space<vmem>>) semaphore(%arg12 : memref<!tpu.dma_semaphore, #tpu.memory_space<semaphore_mem>>)
    %dma_wait3A_15 = arith.constant 0 : i32
    %dma_wait3A_16 = arith.constant 0 : i32
    %dma_wait3A_17 = tpu.memref_slice %arg2[%dma_wait3A_15, %dma_wait3A_16] : memref<8192x768xf32, #tpu.memory_space<hbm>> -> memref<8192x768xf32, #tpu.memory_space<hbm>>
    tpu.wait_indirect_dma semaphore(%arg11 : memref<!tpu.dma_semaphore, #tpu.memory_space<semaphore_mem>>) src(%dma_wait3A_17 : memref<8192x768xf32, #tpu.memory_space<hbm>>) dst(%arg9 : memref<64x768xf32, #tpu.memory_space<vmem>>)
    %dma_start3A_18 = arith.constant 0 : i32
    %dma_start3A_19 = tpu.memref_slice %arg5[%mul3A_2, %dma_start3A_18] : memref<2048x768xf32, #tpu.memory_space<hbm>> -> memref<64x768xf32, #tpu.memory_space<hbm>>
    %dma_start3A_20 = arith.constant 0 : i32
    %dma_start3A_21 = tpu.memref_slice %arg5[%mul3A_2, %dma_start3A_20] : memref<2048x768xf32, #tpu.memory_space<hbm>> -> memref<64x768xf32, #tpu.memory_space<hbm>>
    tpu.enqueue_dma source(%arg9 : memref<64x768xf32, #tpu.memory_space<vmem>>) target(%dma_start3A_21 : memref<64x768xf32, #tpu.memory_space<hbm>>) target_semaphore(%arg11 : memref<!tpu.dma_semaphore, #tpu.memory_space<semaphore_mem>>)
    %dma_wait3A_22 = arith.constant 0 : i32
    %dma_wait3A_23 = arith.constant 0 : i32
    %dma_wait3A_24 = tpu.memref_slice %arg2[%dma_wait3A_22, %dma_wait3A_23] : memref<8192x768xf32, #tpu.memory_space<hbm>> -> memref<8192x768xf32, #tpu.memory_space<hbm>>
    tpu.wait_indirect_dma semaphore(%arg12 : memref<!tpu.dma_semaphore, #tpu.memory_space<semaphore_mem>>) src(%dma_wait3A_24 : memref<8192x768xf32, #tpu.memory_space<hbm>>) dst(%arg10 : memref<64x768xf32, #tpu.memory_space<vmem>>)
    %dma_start3A_25 = arith.constant 0 : i32
    %dma_start3A_26 = tpu.memref_slice %arg6[%mul3A_2, %dma_start3A_25] : memref<2048x768xf32, #tpu.memory_space<hbm>> -> memref<64x768xf32, #tpu.memory_space<hbm>>
    %dma_start3A_27 = arith.constant 0 : i32
    %dma_start3A_28 = tpu.memref_slice %arg6[%mul3A_2, %dma_start3A_27] : memref<2048x768xf32, #tpu.memory_space<hbm>> -> memref<64x768xf32, #tpu.memory_space<hbm>>
    tpu.enqueue_dma source(%arg10 : memref<64x768xf32, #tpu.memory_space<vmem>>) target(%dma_start3A_28 : memref<64x768xf32, #tpu.memory_space<hbm>>) target_semaphore(%arg12 : memref<!tpu.dma_semaphore, #tpu.memory_space<semaphore_mem>>)
    %dma_wait3A_29 = arith.constant 0 : i32
    %dma_wait3A_30 = tpu.memref_slice %arg5[%mul3A_2, %dma_wait3A_29] : memref<2048x768xf32, #tpu.memory_space<hbm>> -> memref<64x768xf32, #tpu.memory_space<hbm>>
    %dma_wait3A_31 = arith.constant 0 : i32
    %dma_wait3A_32 = tpu.memref_slice %arg5[%mul3A_2, %dma_wait3A_31] : memref<2048x768xf32, #tpu.memory_space<hbm>> -> memref<64x768xf32, #tpu.memory_space<hbm>>
    tpu.wait_dma2 semaphore(%arg11 : memref<!tpu.dma_semaphore, #tpu.memory_space<semaphore_mem>>) src(%arg9 : memref<64x768xf32, #tpu.memory_space<vmem>>) dst(%dma_wait3A_32 : memref<64x768xf32, #tpu.memory_space<hbm>>)
    %dma_wait3A_33 = arith.constant 0 : i32
    %dma_wait3A_34 = tpu.memref_slice %arg6[%mul3A_2, %dma_wait3A_33] : memref<2048x768xf32, #tpu.memory_space<hbm>> -> memref<64x768xf32, #tpu.memory_space<hbm>>
    %dma_wait3A_35 = arith.constant 0 : i32
    %dma_wait3A_36 = tpu.memref_slice %arg6[%mul3A_2, %dma_wait3A_35] : memref<2048x768xf32, #tpu.memory_space<hbm>> -> memref<64x768xf32, #tpu.memory_space<hbm>>
    tpu.wait_dma2 semaphore(%arg12 : memref<!tpu.dma_semaphore, #tpu.memory_space<semaphore_mem>>) src(%arg10 : memref<64x768xf32, #tpu.memory_space<vmem>>) dst(%dma_wait3A_36 : memref<64x768xf32, #tpu.memory_space<hbm>>)
    return
  }
}

#map = affine_map<(d0, d1) -> (0, 0)>
#map1 = affine_map<(d0, d1) -> (0)>
#map2 = affine_map<(d0, d1) -> (0, 0, 0)>
module attributes {stable_mosaic.version = 14 : i64} {
  func.func @_stage_b(%arg0: i32, %arg1: i32, %arg2: memref<2048x768xf32, #tpu.memory_space<hbm>>, %arg3: memref<2048xi32, #tpu.memory_space<hbm>>, %arg4: memref<2048xi32, #tpu.memory_space<hbm>>, %arg5: memref<2048xi32, #tpu.memory_space<hbm>>, %arg6: memref<2048xi32, #tpu.memory_space<hbm>>, %arg7: memref<1x16x128xi32, #tpu.memory_space<hbm>>, %arg8: memref<8192x768xf32, #tpu.memory_space<hbm>>, %arg9: memref<2048xi32, #tpu.memory_space<hbm>>, %arg10: memref<2048xi32, #tpu.memory_space<hbm>>, %arg11: memref<128xi32, #tpu.memory_space<hbm>>, %arg12: memref<16x128xi32, #tpu.memory_space<vmem>>, %arg13: memref<64xi32, #tpu.memory_space<vmem>>, %arg14: memref<64xi32, #tpu.memory_space<vmem>>, %arg15: memref<64xi32, #tpu.memory_space<vmem>>, %arg16: memref<64xi32, #tpu.memory_space<vmem>>, %arg17: memref<64xi32, #tpu.memory_space<vmem>>, %arg18: memref<64xi32, #tpu.memory_space<vmem>>, %arg19: memref<64x768xf32, #tpu.memory_space<vmem>>, %arg20: memref<16xi32, #tpu.memory_space<vmem>>, %arg21: memref<16xi32, #tpu.memory_space<vmem>>, %arg22: memref<!tpu.dma_semaphore, #tpu.memory_space<semaphore_mem>>, %arg23: memref<!tpu.dma_semaphore, #tpu.memory_space<semaphore_mem>>, %arg24: memref<!tpu.dma_semaphore, #tpu.memory_space<semaphore_mem>>, %arg25: memref<!tpu.dma_semaphore, #tpu.memory_space<semaphore_mem>>, %arg26: memref<!tpu.dma_semaphore, #tpu.memory_space<semaphore_mem>>) attributes {dimension_semantics = [#tpu.dimension_semantics<core_parallel>, #tpu.dimension_semantics<subcore_parallel>], iteration_bounds = array<i64: 2, 16>, scalar_prefetch = 0 : i64, scratch_operands = 15 : i64, tpu.core_type = #tpu.core_type<sc_vector_subcore>, window_params = [{transform_indices = #map}, {transform_indices = #map1}, {transform_indices = #map1}, {transform_indices = #map1}, {transform_indices = #map1}, {transform_indices = #map2}, {transform_indices = #map}, {transform_indices = #map1}, {transform_indices = #map1}, {transform_indices = #map1}]} {
    %mul3A = arith.constant 2 : i32
    %mul3A_0 = arith.muli %arg1, %mul3A : i32
    %add3A = arith.addi %mul3A_0, %arg0 : i32
    %mul3A_1 = arith.constant 64 : i32
    %mul3A_2 = arith.muli %add3A, %mul3A_1 : i32
    %dma_start3A = arith.constant 0 : i32
    %dma_start3A_3 = tpu.memref_slice %arg2[%mul3A_2, %dma_start3A] : memref<2048x768xf32, #tpu.memory_space<hbm>> -> memref<64x768xf32, #tpu.memory_space<hbm>>
    %dma_start3A_4 = arith.constant 0 : i32
    %dma_start3A_5 = tpu.memref_slice %arg2[%mul3A_2, %dma_start3A_4] : memref<2048x768xf32, #tpu.memory_space<hbm>> -> memref<64x768xf32, #tpu.memory_space<hbm>>
    tpu.enqueue_dma source(%dma_start3A_5 : memref<64x768xf32, #tpu.memory_space<hbm>>) target(%arg19 : memref<64x768xf32, #tpu.memory_space<vmem>>) target_semaphore(%arg24 : memref<!tpu.dma_semaphore, #tpu.memory_space<semaphore_mem>>)
    %run_scoped3A = arith.constant 0 : i32
    "tpu.region"() ({
      %run_scoped3A_780 = tpu.sem_alloc : memref<!tpu.dma_semaphore, #tpu.memory_space<semaphore_mem>>
      %dma_start3A_781 = arith.constant 0 : i32
      %dma_start3A_782 = arith.constant 0 : i32
      %dma_start3A_783 = tpu.memref_slice %arg7[%run_scoped3A, %dma_start3A_781, %dma_start3A_782] : memref<1x16x128xi32, #tpu.memory_space<hbm>> -> memref<1x16x128xi32, #tpu.memory_space<hbm>>
      %dma_start3A_784 = tpu.memref_squeeze %dma_start3A_783 : memref<1x16x128xi32, #tpu.memory_space<hbm>> -> memref<16x128xi32, #tpu.memory_space<hbm>>
      %dma_start3A_785 = arith.constant 0 : i32
      %dma_start3A_786 = arith.constant 0 : i32
      %dma_start3A_787 = tpu.memref_slice %arg7[%run_scoped3A, %dma_start3A_785, %dma_start3A_786] : memref<1x16x128xi32, #tpu.memory_space<hbm>> -> memref<1x16x128xi32, #tpu.memory_space<hbm>>
      %dma_start3A_788 = tpu.memref_squeeze %dma_start3A_787 : memref<1x16x128xi32, #tpu.memory_space<hbm>> -> memref<16x128xi32, #tpu.memory_space<hbm>>
      tpu.enqueue_dma source(%dma_start3A_788 : memref<16x128xi32, #tpu.memory_space<hbm>>) target(%arg12 : memref<16x128xi32, #tpu.memory_space<vmem>>) target_semaphore(%run_scoped3A_780 : memref<!tpu.dma_semaphore, #tpu.memory_space<semaphore_mem>>)
      %dma_wait3A_789 = arith.constant 0 : i32
      %dma_wait3A_790 = arith.constant 0 : i32
      %dma_wait3A_791 = tpu.memref_slice %arg7[%run_scoped3A, %dma_wait3A_789, %dma_wait3A_790] : memref<1x16x128xi32, #tpu.memory_space<hbm>> -> memref<1x16x128xi32, #tpu.memory_space<hbm>>
      %dma_wait3A_792 = tpu.memref_squeeze %dma_wait3A_791 : memref<1x16x128xi32, #tpu.memory_space<hbm>> -> memref<16x128xi32, #tpu.memory_space<hbm>>
      %dma_wait3A_793 = arith.constant 0 : i32
      %dma_wait3A_794 = arith.constant 0 : i32
      %dma_wait3A_795 = tpu.memref_slice %arg7[%run_scoped3A, %dma_wait3A_793, %dma_wait3A_794] : memref<1x16x128xi32, #tpu.memory_space<hbm>> -> memref<1x16x128xi32, #tpu.memory_space<hbm>>
      %dma_wait3A_796 = tpu.memref_squeeze %dma_wait3A_795 : memref<1x16x128xi32, #tpu.memory_space<hbm>> -> memref<16x128xi32, #tpu.memory_space<hbm>>
      tpu.wait_dma2 semaphore(%run_scoped3A_780 : memref<!tpu.dma_semaphore, #tpu.memory_space<semaphore_mem>>) src(%dma_wait3A_796 : memref<16x128xi32, #tpu.memory_space<hbm>>) dst(%arg12 : memref<16x128xi32, #tpu.memory_space<vmem>>)
      tpu.yield
    }) : () -> ()
    %broadcast_in_dim3A = arith.constant 0 : i32
    %broadcast_in_dim3A_6 = vector.broadcast %broadcast_in_dim3A : i32 to vector<16xi32>
    %get3A = arith.constant 0 : i32
    %get3A_7 = arith.index_cast %get3A : i32 to index
    %get3A_8 = arith.constant 0 : index
    %get3A_9 = tpu.vector_load %arg12[%get3A_7, %get3A_8] {strides = array<i32>} : memref<16x128xi32, #tpu.memory_space<vmem>>, vector<1x16xi32>,
    %get3A_10 = vector.shape_cast %get3A_9 : vector<1x16xi32> to vector<16xi32>
    %add3A_11 = arith.constant 511 : i32
    %add3A_12 = vector.broadcast %add3A_11 : i32 to vector<16xi32>
    %add3A_13 = arith.addi %get3A_10, %add3A_12 : vector<16xi32>
    %shift_right_arithmetic3A = arith.constant 9 : i32
    %shift_right_arithmetic3A_14 = vector.broadcast %shift_right_arithmetic3A : i32 to vector<16xi32>
    %shift_right_arithmetic3A_15 = arith.shrsi %add3A_13, %shift_right_arithmetic3A_14 : vector<16xi32>
    %shift_left3A = arith.constant 9 : i32
    %shift_left3A_16 = vector.broadcast %shift_left3A : i32 to vector<16xi32>
    %shift_left3A_17 = arith.shli %shift_right_arithmetic3A_15, %shift_left3A_16 : vector<16xi32>
    %add3A_18 = arith.addi %broadcast_in_dim3A_6, %shift_left3A_17 : vector<16xi32>
    %get3A_19 = arith.constant 1 : i32
    %get3A_20 = arith.index_cast %get3A_19 : i32 to index
    %get3A_21 = arith.constant 0 : index
    %get3A_22 = tpu.vector_load %arg12[%get3A_20, %get3A_21] {strides = array<i32>} : memref<16x128xi32, #tpu.memory_space<vmem>>, vector<1x16xi32>,
    %get3A_23 = vector.shape_cast %get3A_22 : vector<1x16xi32> to vector<16xi32>
    %add3A_24 = arith.constant 511 : i32
    %add3A_25 = vector.broadcast %add3A_24 : i32 to vector<16xi32>
    %add3A_26 = arith.addi %get3A_23, %add3A_25 : vector<16xi32>
    %shift_right_arithmetic3A_27 = arith.constant 9 : i32
    %shift_right_arithmetic3A_28 = vector.broadcast %shift_right_arithmetic3A_27 : i32 to vector<16xi32>
    %shift_right_arithmetic3A_29 = arith.shrsi %add3A_26, %shift_right_arithmetic3A_28 : vector<16xi32>
    %shift_left3A_30 = arith.constant 9 : i32
    %shift_left3A_31 = vector.broadcast %shift_left3A_30 : i32 to vector<16xi32>
    %shift_left3A_32 = arith.shli %shift_right_arithmetic3A_29, %shift_left3A_31 : vector<16xi32>
    %add3A_33 = arith.addi %add3A_18, %shift_left3A_32 : vector<16xi32>
    %get3A_34 = arith.constant 2 : i32
    %get3A_35 = arith.index_cast %get3A_34 : i32 to index
    %get3A_36 = arith.constant 0 : index
    %get3A_37 = tpu.vector_load %arg12[%get3A_35, %get3A_36] {strides = array<i32>} : memref<16x128xi32, #tpu.memory_space<vmem>>, vector<1x16xi32>,
    %get3A_38 = vector.shape_cast %get3A_37 : vector<1x16xi32> to vector<16xi32>
    %add3A_39 = arith.constant 511 : i32
    %add3A_40 = vector.broadcast %add3A_39 : i32 to vector<16xi32>
    %add3A_41 = arith.addi %get3A_38, %add3A_40 : vector<16xi32>
    %shift_right_arithmetic3A_42 = arith.constant 9 : i32
    %shift_right_arithmetic3A_43 = vector.broadcast %shift_right_arithmetic3A_42 : i32 to vector<16xi32>
    %shift_right_arithmetic3A_44 = arith.shrsi %add3A_41, %shift_right_arithmetic3A_43 : vector<16xi32>
    %shift_left3A_45 = arith.constant 9 : i32
    %shift_left3A_46 = vector.broadcast %shift_left3A_45 : i32 to vector<16xi32>
    %shift_left3A_47 = arith.shli %shift_right_arithmetic3A_44, %shift_left3A_46 : vector<16xi32>
    %add3A_48 = arith.addi %add3A_33, %shift_left3A_47 : vector<16xi32>
    %get3A_49 = arith.constant 3 : i32
    %get3A_50 = arith.index_cast %get3A_49 : i32 to index
    %get3A_51 = arith.constant 0 : index
    %get3A_52 = tpu.vector_load %arg12[%get3A_50, %get3A_51] {strides = array<i32>} : memref<16x128xi32, #tpu.memory_space<vmem>>, vector<1x16xi32>,
    %get3A_53 = vector.shape_cast %get3A_52 : vector<1x16xi32> to vector<16xi32>
    %add3A_54 = arith.constant 511 : i32
    %add3A_55 = vector.broadcast %add3A_54 : i32 to vector<16xi32>
    %add3A_56 = arith.addi %get3A_53, %add3A_55 : vector<16xi32>
    %shift_right_arithmetic3A_57 = arith.constant 9 : i32
    %shift_right_arithmetic3A_58 = vector.broadcast %shift_right_arithmetic3A_57 : i32 to vector<16xi32>
    %shift_right_arithmetic3A_59 = arith.shrsi %add3A_56, %shift_right_arithmetic3A_58 : vector<16xi32>
    %shift_left3A_60 = arith.constant 9 : i32
    %shift_left3A_61 = vector.broadcast %shift_left3A_60 : i32 to vector<16xi32>
    %shift_left3A_62 = arith.shli %shift_right_arithmetic3A_59, %shift_left3A_61 : vector<16xi32>
    %add3A_63 = arith.addi %add3A_48, %shift_left3A_62 : vector<16xi32>
    %get3A_64 = arith.constant 4 : i32
    %get3A_65 = arith.index_cast %get3A_64 : i32 to index
    %get3A_66 = arith.constant 0 : index
    %get3A_67 = tpu.vector_load %arg12[%get3A_65, %get3A_66] {strides = array<i32>} : memref<16x128xi32, #tpu.memory_space<vmem>>, vector<1x16xi32>,
    %get3A_68 = vector.shape_cast %get3A_67 : vector<1x16xi32> to vector<16xi32>
    %add3A_69 = arith.constant 511 : i32
    %add3A_70 = vector.broadcast %add3A_69 : i32 to vector<16xi32>
    %add3A_71 = arith.addi %get3A_68, %add3A_70 : vector<16xi32>
    %shift_right_arithmetic3A_72 = arith.constant 9 : i32
    %shift_right_arithmetic3A_73 = vector.broadcast %shift_right_arithmetic3A_72 : i32 to vector<16xi32>
    %shift_right_arithmetic3A_74 = arith.shrsi %add3A_71, %shift_right_arithmetic3A_73 : vector<16xi32>
    %shift_left3A_75 = arith.constant 9 : i32
    %shift_left3A_76 = vector.broadcast %shift_left3A_75 : i32 to vector<16xi32>
    %shift_left3A_77 = arith.shli %shift_right_arithmetic3A_74, %shift_left3A_76 : vector<16xi32>
    %add3A_78 = arith.addi %add3A_63, %shift_left3A_77 : vector<16xi32>
    %get3A_79 = arith.constant 5 : i32
    %get3A_80 = arith.index_cast %get3A_79 : i32 to index
    %get3A_81 = arith.constant 0 : index
    %get3A_82 = tpu.vector_load %arg12[%get3A_80, %get3A_81] {strides = array<i32>} : memref<16x128xi32, #tpu.memory_space<vmem>>, vector<1x16xi32>,
    %get3A_83 = vector.shape_cast %get3A_82 : vector<1x16xi32> to vector<16xi32>
    %add3A_84 = arith.constant 511 : i32
    %add3A_85 = vector.broadcast %add3A_84 : i32 to vector<16xi32>
    %add3A_86 = arith.addi %get3A_83, %add3A_85 : vector<16xi32>
    %shift_right_arithmetic3A_87 = arith.constant 9 : i32
    %shift_right_arithmetic3A_88 = vector.broadcast %shift_right_arithmetic3A_87 : i32 to vector<16xi32>
    %shift_right_arithmetic3A_89 = arith.shrsi %add3A_86, %shift_right_arithmetic3A_88 : vector<16xi32>
    %shift_left3A_90 = arith.constant 9 : i32
    %shift_left3A_91 = vector.broadcast %shift_left3A_90 : i32 to vector<16xi32>
    %shift_left3A_92 = arith.shli %shift_right_arithmetic3A_89, %shift_left3A_91 : vector<16xi32>
    %add3A_93 = arith.addi %add3A_78, %shift_left3A_92 : vector<16xi32>
    %get3A_94 = arith.constant 6 : i32
    %get3A_95 = arith.index_cast %get3A_94 : i32 to index
    %get3A_96 = arith.constant 0 : index
    %get3A_97 = tpu.vector_load %arg12[%get3A_95, %get3A_96] {strides = array<i32>} : memref<16x128xi32, #tpu.memory_space<vmem>>, vector<1x16xi32>,
    %get3A_98 = vector.shape_cast %get3A_97 : vector<1x16xi32> to vector<16xi32>
    %add3A_99 = arith.constant 511 : i32
    %add3A_100 = vector.broadcast %add3A_99 : i32 to vector<16xi32>
    %add3A_101 = arith.addi %get3A_98, %add3A_100 : vector<16xi32>
    %shift_right_arithmetic3A_102 = arith.constant 9 : i32
    %shift_right_arithmetic3A_103 = vector.broadcast %shift_right_arithmetic3A_102 : i32 to vector<16xi32>
    %shift_right_arithmetic3A_104 = arith.shrsi %add3A_101, %shift_right_arithmetic3A_103 : vector<16xi32>
    %shift_left3A_105 = arith.constant 9 : i32
    %shift_left3A_106 = vector.broadcast %shift_left3A_105 : i32 to vector<16xi32>
    %shift_left3A_107 = arith.shli %shift_right_arithmetic3A_104, %shift_left3A_106 : vector<16xi32>
    %add3A_108 = arith.addi %add3A_93, %shift_left3A_107 : vector<16xi32>
    %get3A_109 = arith.constant 7 : i32
    %get3A_110 = arith.index_cast %get3A_109 : i32 to index
    %get3A_111 = arith.constant 0 : index
    %get3A_112 = tpu.vector_load %arg12[%get3A_110, %get3A_111] {strides = array<i32>} : memref<16x128xi32, #tpu.memory_space<vmem>>, vector<1x16xi32>,
    %get3A_113 = vector.shape_cast %get3A_112 : vector<1x16xi32> to vector<16xi32>
    %add3A_114 = arith.constant 511 : i32
    %add3A_115 = vector.broadcast %add3A_114 : i32 to vector<16xi32>
    %add3A_116 = arith.addi %get3A_113, %add3A_115 : vector<16xi32>
    %shift_right_arithmetic3A_117 = arith.constant 9 : i32
    %shift_right_arithmetic3A_118 = vector.broadcast %shift_right_arithmetic3A_117 : i32 to vector<16xi32>
    %shift_right_arithmetic3A_119 = arith.shrsi %add3A_116, %shift_right_arithmetic3A_118 : vector<16xi32>
    %shift_left3A_120 = arith.constant 9 : i32
    %shift_left3A_121 = vector.broadcast %shift_left3A_120 : i32 to vector<16xi32>
    %shift_left3A_122 = arith.shli %shift_right_arithmetic3A_119, %shift_left3A_121 : vector<16xi32>
    %add3A_123 = arith.addi %add3A_108, %shift_left3A_122 : vector<16xi32>
    %dma_start3A_124 = tpu.memref_slice %arg3[%mul3A_2] : memref<2048xi32, #tpu.memory_space<hbm>> -> memref<64xi32, #tpu.memory_space<hbm>>
    %dma_start3A_125 = tpu.memref_slice %arg3[%mul3A_2] : memref<2048xi32, #tpu.memory_space<hbm>> -> memref<64xi32, #tpu.memory_space<hbm>>
    tpu.enqueue_dma source(%dma_start3A_125 : memref<64xi32, #tpu.memory_space<hbm>>) target(%arg13 : memref<64xi32, #tpu.memory_space<vmem>>) target_semaphore(%arg22 : memref<!tpu.dma_semaphore, #tpu.memory_space<semaphore_mem>>)
    %dma_start3A_126 = tpu.memref_slice %arg5[%mul3A_2] : memref<2048xi32, #tpu.memory_space<hbm>> -> memref<64xi32, #tpu.memory_space<hbm>>
    %dma_start3A_127 = tpu.memref_slice %arg5[%mul3A_2] : memref<2048xi32, #tpu.memory_space<hbm>> -> memref<64xi32, #tpu.memory_space<hbm>>
    tpu.enqueue_dma source(%dma_start3A_127 : memref<64xi32, #tpu.memory_space<hbm>>) target(%arg14 : memref<64xi32, #tpu.memory_space<vmem>>) target_semaphore(%arg23 : memref<!tpu.dma_semaphore, #tpu.memory_space<semaphore_mem>>)
    %dma_start3A_128 = tpu.memref_slice %arg4[%mul3A_2] : memref<2048xi32, #tpu.memory_space<hbm>> -> memref<64xi32, #tpu.memory_space<hbm>>
    %dma_start3A_129 = tpu.memref_slice %arg4[%mul3A_2] : memref<2048xi32, #tpu.memory_space<hbm>> -> memref<64xi32, #tpu.memory_space<hbm>>
    tpu.enqueue_dma source(%dma_start3A_129 : memref<64xi32, #tpu.memory_space<hbm>>) target(%arg15 : memref<64xi32, #tpu.memory_space<vmem>>) target_semaphore(%arg25 : memref<!tpu.dma_semaphore, #tpu.memory_space<semaphore_mem>>)
    %dma_start3A_130 = tpu.memref_slice %arg6[%mul3A_2] : memref<2048xi32, #tpu.memory_space<hbm>> -> memref<64xi32, #tpu.memory_space<hbm>>
    %dma_start3A_131 = tpu.memref_slice %arg6[%mul3A_2] : memref<2048xi32, #tpu.memory_space<hbm>> -> memref<64xi32, #tpu.memory_space<hbm>>
    tpu.enqueue_dma source(%dma_start3A_131 : memref<64xi32, #tpu.memory_space<hbm>>) target(%arg16 : memref<64xi32, #tpu.memory_space<vmem>>) target_semaphore(%arg26 : memref<!tpu.dma_semaphore, #tpu.memory_space<semaphore_mem>>)
    %dma_wait3A = tpu.memref_slice %arg3[%mul3A_2] : memref<2048xi32, #tpu.memory_space<hbm>> -> memref<64xi32, #tpu.memory_space<hbm>>
    %dma_wait3A_132 = tpu.memref_slice %arg3[%mul3A_2] : memref<2048xi32, #tpu.memory_space<hbm>> -> memref<64xi32, #tpu.memory_space<hbm>>
    tpu.wait_dma2 semaphore(%arg22 : memref<!tpu.dma_semaphore, #tpu.memory_space<semaphore_mem>>) src(%dma_wait3A_132 : memref<64xi32, #tpu.memory_space<hbm>>) dst(%arg13 : memref<64xi32, #tpu.memory_space<vmem>>)
    %dma_wait3A_133 = tpu.memref_slice %arg5[%mul3A_2] : memref<2048xi32, #tpu.memory_space<hbm>> -> memref<64xi32, #tpu.memory_space<hbm>>
    %dma_wait3A_134 = tpu.memref_slice %arg5[%mul3A_2] : memref<2048xi32, #tpu.memory_space<hbm>> -> memref<64xi32, #tpu.memory_space<hbm>>
    tpu.wait_dma2 semaphore(%arg23 : memref<!tpu.dma_semaphore, #tpu.memory_space<semaphore_mem>>) src(%dma_wait3A_134 : memref<64xi32, #tpu.memory_space<hbm>>) dst(%arg14 : memref<64xi32, #tpu.memory_space<vmem>>)
    %get3A_135 = arith.constant 0 : index
    %get3A_136 = tpu.vector_load %arg13[%get3A_135] {strides = array<i32>} : memref<64xi32, #tpu.memory_space<vmem>>, vector<16xi32>,
    %get3A_137 = vector.shape_cast %get3A_136 : vector<16xi32> to vector<16xi32>
    %get3A_138 = arith.constant 0 : index
    %get3A_139 = tpu.vector_load %arg14[%get3A_138] {strides = array<i32>} : memref<64xi32, #tpu.memory_space<vmem>>, vector<16xi32>,
    %get3A_140 = vector.shape_cast %get3A_139 : vector<16xi32> to vector<16xi32>
    %eq3A = arith.constant 0 : i32
    %eq3A_141 = vector.broadcast %eq3A : i32 to vector<16xi32>
    %eq3A_142 = arith.cmpi eq, %get3A_137, %eq3A_141 : vector<16xi32>
    %jit3A = arith.constant 0 : i32
    %broadcast_in_dim3A_143 = vector.broadcast %jit3A : i32 to vector<16xi32>
    %select_n3A = arith.select %eq3A_142, %broadcast_in_dim3A_6, %broadcast_in_dim3A_143 : vector<16xi1>, vector<16xi32>
    %add3A_144 = arith.addi %get3A_140, %select_n3A : vector<16xi32>
    %eq3A_145 = arith.constant 1 : i32
    %eq3A_146 = vector.broadcast %eq3A_145 : i32 to vector<16xi32>
    %eq3A_147 = arith.cmpi eq, %get3A_137, %eq3A_146 : vector<16xi32>
    %jit3A_148 = arith.constant 0 : i32
    %broadcast_in_dim3A_149 = vector.broadcast %jit3A_148 : i32 to vector<16xi32>
    %select_n3A_150 = arith.select %eq3A_147, %add3A_18, %broadcast_in_dim3A_149 : vector<16xi1>, vector<16xi32>
    %add3A_151 = arith.addi %add3A_144, %select_n3A_150 : vector<16xi32>
    %eq3A_152 = arith.constant 2 : i32
    %eq3A_153 = vector.broadcast %eq3A_152 : i32 to vector<16xi32>
    %eq3A_154 = arith.cmpi eq, %get3A_137, %eq3A_153 : vector<16xi32>
    %jit3A_155 = arith.constant 0 : i32
    %broadcast_in_dim3A_156 = vector.broadcast %jit3A_155 : i32 to vector<16xi32>
    %select_n3A_157 = arith.select %eq3A_154, %add3A_33, %broadcast_in_dim3A_156 : vector<16xi1>, vector<16xi32>
    %add3A_158 = arith.addi %add3A_151, %select_n3A_157 : vector<16xi32>
    %eq3A_159 = arith.constant 3 : i32
    %eq3A_160 = vector.broadcast %eq3A_159 : i32 to vector<16xi32>
    %eq3A_161 = arith.cmpi eq, %get3A_137, %eq3A_160 : vector<16xi32>
    %jit3A_162 = arith.constant 0 : i32
    %broadcast_in_dim3A_163 = vector.broadcast %jit3A_162 : i32 to vector<16xi32>
    %select_n3A_164 = arith.select %eq3A_161, %add3A_48, %broadcast_in_dim3A_163 : vector<16xi1>, vector<16xi32>
    %add3A_165 = arith.addi %add3A_158, %select_n3A_164 : vector<16xi32>
    %eq3A_166 = arith.constant 4 : i32
    %eq3A_167 = vector.broadcast %eq3A_166 : i32 to vector<16xi32>
    %eq3A_168 = arith.cmpi eq, %get3A_137, %eq3A_167 : vector<16xi32>
    %jit3A_169 = arith.constant 0 : i32
    %broadcast_in_dim3A_170 = vector.broadcast %jit3A_169 : i32 to vector<16xi32>
    %select_n3A_171 = arith.select %eq3A_168, %add3A_63, %broadcast_in_dim3A_170 : vector<16xi1>, vector<16xi32>
    %add3A_172 = arith.addi %add3A_165, %select_n3A_171 : vector<16xi32>
    %eq3A_173 = arith.constant 5 : i32
    %eq3A_174 = vector.broadcast %eq3A_173 : i32 to vector<16xi32>
    %eq3A_175 = arith.cmpi eq, %get3A_137, %eq3A_174 : vector<16xi32>
    %jit3A_176 = arith.constant 0 : i32
    %broadcast_in_dim3A_177 = vector.broadcast %jit3A_176 : i32 to vector<16xi32>
    %select_n3A_178 = arith.select %eq3A_175, %add3A_78, %broadcast_in_dim3A_177 : vector<16xi1>, vector<16xi32>
    %add3A_179 = arith.addi %add3A_172, %select_n3A_178 : vector<16xi32>
    %eq3A_180 = arith.constant 6 : i32
    %eq3A_181 = vector.broadcast %eq3A_180 : i32 to vector<16xi32>
    %eq3A_182 = arith.cmpi eq, %get3A_137, %eq3A_181 : vector<16xi32>
    %jit3A_183 = arith.constant 0 : i32
    %broadcast_in_dim3A_184 = vector.broadcast %jit3A_183 : i32 to vector<16xi32>
    %select_n3A_185 = arith.select %eq3A_182, %add3A_93, %broadcast_in_dim3A_184 : vector<16xi1>, vector<16xi32>
    %add3A_186 = arith.addi %add3A_179, %select_n3A_185 : vector<16xi32>
    %eq3A_187 = arith.constant 7 : i32
    %eq3A_188 = vector.broadcast %eq3A_187 : i32 to vector<16xi32>
    %eq3A_189 = arith.cmpi eq, %get3A_137, %eq3A_188 : vector<16xi32>
    %jit3A_190 = arith.constant 0 : i32
    %broadcast_in_dim3A_191 = vector.broadcast %jit3A_190 : i32 to vector<16xi32>
    %select_n3A_192 = arith.select %eq3A_189, %add3A_108, %broadcast_in_dim3A_191 : vector<16xi1>, vector<16xi32>
    %add3A_193 = arith.addi %add3A_186, %select_n3A_192 : vector<16xi32>
    %swap3A = arith.constant 0 : index
    %swap3A_194 = tpu.vector_load %arg17[%swap3A] {strides = array<i32>} : memref<64xi32, #tpu.memory_space<vmem>>, vector<16xi32>,
    %swap3A_195 = vector.shape_cast %swap3A_194 : vector<16xi32> to vector<16xi32>
    %swap3A_196 = vector.shape_cast %add3A_193 : vector<16xi32> to vector<16xi32>
    tpu.vector_store %arg17[%swap3A], %swap3A_196 {strides = array<i32>} : memref<64xi32, #tpu.memory_space<vmem>>, vector<16xi32>,
    %get3A_197 = arith.constant 16 : index
    %get3A_198 = tpu.vector_load %arg13[%get3A_197] {strides = array<i32>} : memref<64xi32, #tpu.memory_space<vmem>>, vector<16xi32>,
    %get3A_199 = vector.shape_cast %get3A_198 : vector<16xi32> to vector<16xi32>
    %get3A_200 = arith.constant 16 : index
    %get3A_201 = tpu.vector_load %arg14[%get3A_200] {strides = array<i32>} : memref<64xi32, #tpu.memory_space<vmem>>, vector<16xi32>,
    %get3A_202 = vector.shape_cast %get3A_201 : vector<16xi32> to vector<16xi32>
    %eq3A_203 = arith.constant 0 : i32
    %eq3A_204 = vector.broadcast %eq3A_203 : i32 to vector<16xi32>
    %eq3A_205 = arith.cmpi eq, %get3A_199, %eq3A_204 : vector<16xi32>
    %jit3A_206 = arith.constant 0 : i32
    %broadcast_in_dim3A_207 = vector.broadcast %jit3A_206 : i32 to vector<16xi32>
    %select_n3A_208 = arith.select %eq3A_205, %broadcast_in_dim3A_6, %broadcast_in_dim3A_207 : vector<16xi1>, vector<16xi32>
    %add3A_209 = arith.addi %get3A_202, %select_n3A_208 : vector<16xi32>
    %eq3A_210 = arith.constant 1 : i32
    %eq3A_211 = vector.broadcast %eq3A_210 : i32 to vector<16xi32>
    %eq3A_212 = arith.cmpi eq, %get3A_199, %eq3A_211 : vector<16xi32>
    %jit3A_213 = arith.constant 0 : i32
    %broadcast_in_dim3A_214 = vector.broadcast %jit3A_213 : i32 to vector<16xi32>
    %select_n3A_215 = arith.select %eq3A_212, %add3A_18, %broadcast_in_dim3A_214 : vector<16xi1>, vector<16xi32>
    %add3A_216 = arith.addi %add3A_209, %select_n3A_215 : vector<16xi32>
    %eq3A_217 = arith.constant 2 : i32
    %eq3A_218 = vector.broadcast %eq3A_217 : i32 to vector<16xi32>
    %eq3A_219 = arith.cmpi eq, %get3A_199, %eq3A_218 : vector<16xi32>
    %jit3A_220 = arith.constant 0 : i32
    %broadcast_in_dim3A_221 = vector.broadcast %jit3A_220 : i32 to vector<16xi32>
    %select_n3A_222 = arith.select %eq3A_219, %add3A_33, %broadcast_in_dim3A_221 : vector<16xi1>, vector<16xi32>
    %add3A_223 = arith.addi %add3A_216, %select_n3A_222 : vector<16xi32>
    %eq3A_224 = arith.constant 3 : i32
    %eq3A_225 = vector.broadcast %eq3A_224 : i32 to vector<16xi32>
    %eq3A_226 = arith.cmpi eq, %get3A_199, %eq3A_225 : vector<16xi32>
    %jit3A_227 = arith.constant 0 : i32
    %broadcast_in_dim3A_228 = vector.broadcast %jit3A_227 : i32 to vector<16xi32>
    %select_n3A_229 = arith.select %eq3A_226, %add3A_48, %broadcast_in_dim3A_228 : vector<16xi1>, vector<16xi32>
    %add3A_230 = arith.addi %add3A_223, %select_n3A_229 : vector<16xi32>
    %eq3A_231 = arith.constant 4 : i32
    %eq3A_232 = vector.broadcast %eq3A_231 : i32 to vector<16xi32>
    %eq3A_233 = arith.cmpi eq, %get3A_199, %eq3A_232 : vector<16xi32>
    %jit3A_234 = arith.constant 0 : i32
    %broadcast_in_dim3A_235 = vector.broadcast %jit3A_234 : i32 to vector<16xi32>
    %select_n3A_236 = arith.select %eq3A_233, %add3A_63, %broadcast_in_dim3A_235 : vector<16xi1>, vector<16xi32>
    %add3A_237 = arith.addi %add3A_230, %select_n3A_236 : vector<16xi32>
    %eq3A_238 = arith.constant 5 : i32
    %eq3A_239 = vector.broadcast %eq3A_238 : i32 to vector<16xi32>
    %eq3A_240 = arith.cmpi eq, %get3A_199, %eq3A_239 : vector<16xi32>
    %jit3A_241 = arith.constant 0 : i32
    %broadcast_in_dim3A_242 = vector.broadcast %jit3A_241 : i32 to vector<16xi32>
    %select_n3A_243 = arith.select %eq3A_240, %add3A_78, %broadcast_in_dim3A_242 : vector<16xi1>, vector<16xi32>
    %add3A_244 = arith.addi %add3A_237, %select_n3A_243 : vector<16xi32>
    %eq3A_245 = arith.constant 6 : i32
    %eq3A_246 = vector.broadcast %eq3A_245 : i32 to vector<16xi32>
    %eq3A_247 = arith.cmpi eq, %get3A_199, %eq3A_246 : vector<16xi32>
    %jit3A_248 = arith.constant 0 : i32
    %broadcast_in_dim3A_249 = vector.broadcast %jit3A_248 : i32 to vector<16xi32>
    %select_n3A_250 = arith.select %eq3A_247, %add3A_93, %broadcast_in_dim3A_249 : vector<16xi1>, vector<16xi32>
    %add3A_251 = arith.addi %add3A_244, %select_n3A_250 : vector<16xi32>
    %eq3A_252 = arith.constant 7 : i32
    %eq3A_253 = vector.broadcast %eq3A_252 : i32 to vector<16xi32>
    %eq3A_254 = arith.cmpi eq, %get3A_199, %eq3A_253 : vector<16xi32>
    %jit3A_255 = arith.constant 0 : i32
    %broadcast_in_dim3A_256 = vector.broadcast %jit3A_255 : i32 to vector<16xi32>
    %select_n3A_257 = arith.select %eq3A_254, %add3A_108, %broadcast_in_dim3A_256 : vector<16xi1>, vector<16xi32>
    %add3A_258 = arith.addi %add3A_251, %select_n3A_257 : vector<16xi32>
    %swap3A_259 = arith.constant 16 : index
    %swap3A_260 = tpu.vector_load %arg17[%swap3A_259] {strides = array<i32>} : memref<64xi32, #tpu.memory_space<vmem>>, vector<16xi32>,
    %swap3A_261 = vector.shape_cast %swap3A_260 : vector<16xi32> to vector<16xi32>
    %swap3A_262 = vector.shape_cast %add3A_258 : vector<16xi32> to vector<16xi32>
    tpu.vector_store %arg17[%swap3A_259], %swap3A_262 {strides = array<i32>} : memref<64xi32, #tpu.memory_space<vmem>>, vector<16xi32>,
    %get3A_263 = arith.constant 32 : index
    %get3A_264 = tpu.vector_load %arg13[%get3A_263] {strides = array<i32>} : memref<64xi32, #tpu.memory_space<vmem>>, vector<16xi32>,
    %get3A_265 = vector.shape_cast %get3A_264 : vector<16xi32> to vector<16xi32>
    %get3A_266 = arith.constant 32 : index
    %get3A_267 = tpu.vector_load %arg14[%get3A_266] {strides = array<i32>} : memref<64xi32, #tpu.memory_space<vmem>>, vector<16xi32>,
    %get3A_268 = vector.shape_cast %get3A_267 : vector<16xi32> to vector<16xi32>
    %eq3A_269 = arith.constant 0 : i32
    %eq3A_270 = vector.broadcast %eq3A_269 : i32 to vector<16xi32>
    %eq3A_271 = arith.cmpi eq, %get3A_265, %eq3A_270 : vector<16xi32>
    %jit3A_272 = arith.constant 0 : i32
    %broadcast_in_dim3A_273 = vector.broadcast %jit3A_272 : i32 to vector<16xi32>
    %select_n3A_274 = arith.select %eq3A_271, %broadcast_in_dim3A_6, %broadcast_in_dim3A_273 : vector<16xi1>, vector<16xi32>
    %add3A_275 = arith.addi %get3A_268, %select_n3A_274 : vector<16xi32>
    %eq3A_276 = arith.constant 1 : i32
    %eq3A_277 = vector.broadcast %eq3A_276 : i32 to vector<16xi32>
    %eq3A_278 = arith.cmpi eq, %get3A_265, %eq3A_277 : vector<16xi32>
    %jit3A_279 = arith.constant 0 : i32
    %broadcast_in_dim3A_280 = vector.broadcast %jit3A_279 : i32 to vector<16xi32>
    %select_n3A_281 = arith.select %eq3A_278, %add3A_18, %broadcast_in_dim3A_280 : vector<16xi1>, vector<16xi32>
    %add3A_282 = arith.addi %add3A_275, %select_n3A_281 : vector<16xi32>
    %eq3A_283 = arith.constant 2 : i32
    %eq3A_284 = vector.broadcast %eq3A_283 : i32 to vector<16xi32>
    %eq3A_285 = arith.cmpi eq, %get3A_265, %eq3A_284 : vector<16xi32>
    %jit3A_286 = arith.constant 0 : i32
    %broadcast_in_dim3A_287 = vector.broadcast %jit3A_286 : i32 to vector<16xi32>
    %select_n3A_288 = arith.select %eq3A_285, %add3A_33, %broadcast_in_dim3A_287 : vector<16xi1>, vector<16xi32>
    %add3A_289 = arith.addi %add3A_282, %select_n3A_288 : vector<16xi32>
    %eq3A_290 = arith.constant 3 : i32
    %eq3A_291 = vector.broadcast %eq3A_290 : i32 to vector<16xi32>
    %eq3A_292 = arith.cmpi eq, %get3A_265, %eq3A_291 : vector<16xi32>
    %jit3A_293 = arith.constant 0 : i32
    %broadcast_in_dim3A_294 = vector.broadcast %jit3A_293 : i32 to vector<16xi32>
    %select_n3A_295 = arith.select %eq3A_292, %add3A_48, %broadcast_in_dim3A_294 : vector<16xi1>, vector<16xi32>
    %add3A_296 = arith.addi %add3A_289, %select_n3A_295 : vector<16xi32>
    %eq3A_297 = arith.constant 4 : i32
    %eq3A_298 = vector.broadcast %eq3A_297 : i32 to vector<16xi32>
    %eq3A_299 = arith.cmpi eq, %get3A_265, %eq3A_298 : vector<16xi32>
    %jit3A_300 = arith.constant 0 : i32
    %broadcast_in_dim3A_301 = vector.broadcast %jit3A_300 : i32 to vector<16xi32>
    %select_n3A_302 = arith.select %eq3A_299, %add3A_63, %broadcast_in_dim3A_301 : vector<16xi1>, vector<16xi32>
    %add3A_303 = arith.addi %add3A_296, %select_n3A_302 : vector<16xi32>
    %eq3A_304 = arith.constant 5 : i32
    %eq3A_305 = vector.broadcast %eq3A_304 : i32 to vector<16xi32>
    %eq3A_306 = arith.cmpi eq, %get3A_265, %eq3A_305 : vector<16xi32>
    %jit3A_307 = arith.constant 0 : i32
    %broadcast_in_dim3A_308 = vector.broadcast %jit3A_307 : i32 to vector<16xi32>
    %select_n3A_309 = arith.select %eq3A_306, %add3A_78, %broadcast_in_dim3A_308 : vector<16xi1>, vector<16xi32>
    %add3A_310 = arith.addi %add3A_303, %select_n3A_309 : vector<16xi32>
    %eq3A_311 = arith.constant 6 : i32
    %eq3A_312 = vector.broadcast %eq3A_311 : i32 to vector<16xi32>
    %eq3A_313 = arith.cmpi eq, %get3A_265, %eq3A_312 : vector<16xi32>
    %jit3A_314 = arith.constant 0 : i32
    %broadcast_in_dim3A_315 = vector.broadcast %jit3A_314 : i32 to vector<16xi32>
    %select_n3A_316 = arith.select %eq3A_313, %add3A_93, %broadcast_in_dim3A_315 : vector<16xi1>, vector<16xi32>
    %add3A_317 = arith.addi %add3A_310, %select_n3A_316 : vector<16xi32>
    %eq3A_318 = arith.constant 7 : i32
    %eq3A_319 = vector.broadcast %eq3A_318 : i32 to vector<16xi32>
    %eq3A_320 = arith.cmpi eq, %get3A_265, %eq3A_319 : vector<16xi32>
    %jit3A_321 = arith.constant 0 : i32
    %broadcast_in_dim3A_322 = vector.broadcast %jit3A_321 : i32 to vector<16xi32>
    %select_n3A_323 = arith.select %eq3A_320, %add3A_108, %broadcast_in_dim3A_322 : vector<16xi1>, vector<16xi32>
    %add3A_324 = arith.addi %add3A_317, %select_n3A_323 : vector<16xi32>
    %swap3A_325 = arith.constant 32 : index
    %swap3A_326 = tpu.vector_load %arg17[%swap3A_325] {strides = array<i32>} : memref<64xi32, #tpu.memory_space<vmem>>, vector<16xi32>,
    %swap3A_327 = vector.shape_cast %swap3A_326 : vector<16xi32> to vector<16xi32>
    %swap3A_328 = vector.shape_cast %add3A_324 : vector<16xi32> to vector<16xi32>
    tpu.vector_store %arg17[%swap3A_325], %swap3A_328 {strides = array<i32>} : memref<64xi32, #tpu.memory_space<vmem>>, vector<16xi32>,
    %get3A_329 = arith.constant 48 : index
    %get3A_330 = tpu.vector_load %arg13[%get3A_329] {strides = array<i32>} : memref<64xi32, #tpu.memory_space<vmem>>, vector<16xi32>,
    %get3A_331 = vector.shape_cast %get3A_330 : vector<16xi32> to vector<16xi32>
    %get3A_332 = arith.constant 48 : index
    %get3A_333 = tpu.vector_load %arg14[%get3A_332] {strides = array<i32>} : memref<64xi32, #tpu.memory_space<vmem>>, vector<16xi32>,
    %get3A_334 = vector.shape_cast %get3A_333 : vector<16xi32> to vector<16xi32>
    %eq3A_335 = arith.constant 0 : i32
    %eq3A_336 = vector.broadcast %eq3A_335 : i32 to vector<16xi32>
    %eq3A_337 = arith.cmpi eq, %get3A_331, %eq3A_336 : vector<16xi32>
    %jit3A_338 = arith.constant 0 : i32
    %broadcast_in_dim3A_339 = vector.broadcast %jit3A_338 : i32 to vector<16xi32>
    %select_n3A_340 = arith.select %eq3A_337, %broadcast_in_dim3A_6, %broadcast_in_dim3A_339 : vector<16xi1>, vector<16xi32>
    %add3A_341 = arith.addi %get3A_334, %select_n3A_340 : vector<16xi32>
    %eq3A_342 = arith.constant 1 : i32
    %eq3A_343 = vector.broadcast %eq3A_342 : i32 to vector<16xi32>
    %eq3A_344 = arith.cmpi eq, %get3A_331, %eq3A_343 : vector<16xi32>
    %jit3A_345 = arith.constant 0 : i32
    %broadcast_in_dim3A_346 = vector.broadcast %jit3A_345 : i32 to vector<16xi32>
    %select_n3A_347 = arith.select %eq3A_344, %add3A_18, %broadcast_in_dim3A_346 : vector<16xi1>, vector<16xi32>
    %add3A_348 = arith.addi %add3A_341, %select_n3A_347 : vector<16xi32>
    %eq3A_349 = arith.constant 2 : i32
    %eq3A_350 = vector.broadcast %eq3A_349 : i32 to vector<16xi32>
    %eq3A_351 = arith.cmpi eq, %get3A_331, %eq3A_350 : vector<16xi32>
    %jit3A_352 = arith.constant 0 : i32
    %broadcast_in_dim3A_353 = vector.broadcast %jit3A_352 : i32 to vector<16xi32>
    %select_n3A_354 = arith.select %eq3A_351, %add3A_33, %broadcast_in_dim3A_353 : vector<16xi1>, vector<16xi32>
    %add3A_355 = arith.addi %add3A_348, %select_n3A_354 : vector<16xi32>
    %eq3A_356 = arith.constant 3 : i32
    %eq3A_357 = vector.broadcast %eq3A_356 : i32 to vector<16xi32>
    %eq3A_358 = arith.cmpi eq, %get3A_331, %eq3A_357 : vector<16xi32>
    %jit3A_359 = arith.constant 0 : i32
    %broadcast_in_dim3A_360 = vector.broadcast %jit3A_359 : i32 to vector<16xi32>
    %select_n3A_361 = arith.select %eq3A_358, %add3A_48, %broadcast_in_dim3A_360 : vector<16xi1>, vector<16xi32>
    %add3A_362 = arith.addi %add3A_355, %select_n3A_361 : vector<16xi32>
    %eq3A_363 = arith.constant 4 : i32
    %eq3A_364 = vector.broadcast %eq3A_363 : i32 to vector<16xi32>
    %eq3A_365 = arith.cmpi eq, %get3A_331, %eq3A_364 : vector<16xi32>
    %jit3A_366 = arith.constant 0 : i32
    %broadcast_in_dim3A_367 = vector.broadcast %jit3A_366 : i32 to vector<16xi32>
    %select_n3A_368 = arith.select %eq3A_365, %add3A_63, %broadcast_in_dim3A_367 : vector<16xi1>, vector<16xi32>
    %add3A_369 = arith.addi %add3A_362, %select_n3A_368 : vector<16xi32>
    %eq3A_370 = arith.constant 5 : i32
    %eq3A_371 = vector.broadcast %eq3A_370 : i32 to vector<16xi32>
    %eq3A_372 = arith.cmpi eq, %get3A_331, %eq3A_371 : vector<16xi32>
    %jit3A_373 = arith.constant 0 : i32
    %broadcast_in_dim3A_374 = vector.broadcast %jit3A_373 : i32 to vector<16xi32>
    %select_n3A_375 = arith.select %eq3A_372, %add3A_78, %broadcast_in_dim3A_374 : vector<16xi1>, vector<16xi32>
    %add3A_376 = arith.addi %add3A_369, %select_n3A_375 : vector<16xi32>
    %eq3A_377 = arith.constant 6 : i32
    %eq3A_378 = vector.broadcast %eq3A_377 : i32 to vector<16xi32>
    %eq3A_379 = arith.cmpi eq, %get3A_331, %eq3A_378 : vector<16xi32>
    %jit3A_380 = arith.constant 0 : i32
    %broadcast_in_dim3A_381 = vector.broadcast %jit3A_380 : i32 to vector<16xi32>
    %select_n3A_382 = arith.select %eq3A_379, %add3A_93, %broadcast_in_dim3A_381 : vector<16xi1>, vector<16xi32>
    %add3A_383 = arith.addi %add3A_376, %select_n3A_382 : vector<16xi32>
    %eq3A_384 = arith.constant 7 : i32
    %eq3A_385 = vector.broadcast %eq3A_384 : i32 to vector<16xi32>
    %eq3A_386 = arith.cmpi eq, %get3A_331, %eq3A_385 : vector<16xi32>
    %jit3A_387 = arith.constant 0 : i32
    %broadcast_in_dim3A_388 = vector.broadcast %jit3A_387 : i32 to vector<16xi32>
    %select_n3A_389 = arith.select %eq3A_386, %add3A_108, %broadcast_in_dim3A_388 : vector<16xi1>, vector<16xi32>
    %add3A_390 = arith.addi %add3A_383, %select_n3A_389 : vector<16xi32>
    %swap3A_391 = arith.constant 48 : index
    %swap3A_392 = tpu.vector_load %arg17[%swap3A_391] {strides = array<i32>} : memref<64xi32, #tpu.memory_space<vmem>>, vector<16xi32>,
    %swap3A_393 = vector.shape_cast %swap3A_392 : vector<16xi32> to vector<16xi32>
    %swap3A_394 = vector.shape_cast %add3A_390 : vector<16xi32> to vector<16xi32>
    tpu.vector_store %arg17[%swap3A_391], %swap3A_394 {strides = array<i32>} : memref<64xi32, #tpu.memory_space<vmem>>, vector<16xi32>,
    %dma_wait3A_395 = tpu.memref_slice %arg4[%mul3A_2] : memref<2048xi32, #tpu.memory_space<hbm>> -> memref<64xi32, #tpu.memory_space<hbm>>
    %dma_wait3A_396 = tpu.memref_slice %arg4[%mul3A_2] : memref<2048xi32, #tpu.memory_space<hbm>> -> memref<64xi32, #tpu.memory_space<hbm>>
    tpu.wait_dma2 semaphore(%arg25 : memref<!tpu.dma_semaphore, #tpu.memory_space<semaphore_mem>>) src(%dma_wait3A_396 : memref<64xi32, #tpu.memory_space<hbm>>) dst(%arg15 : memref<64xi32, #tpu.memory_space<vmem>>)
    %dma_wait3A_397 = tpu.memref_slice %arg6[%mul3A_2] : memref<2048xi32, #tpu.memory_space<hbm>> -> memref<64xi32, #tpu.memory_space<hbm>>
    %dma_wait3A_398 = tpu.memref_slice %arg6[%mul3A_2] : memref<2048xi32, #tpu.memory_space<hbm>> -> memref<64xi32, #tpu.memory_space<hbm>>
    tpu.wait_dma2 semaphore(%arg26 : memref<!tpu.dma_semaphore, #tpu.memory_space<semaphore_mem>>) src(%dma_wait3A_398 : memref<64xi32, #tpu.memory_space<hbm>>) dst(%arg16 : memref<64xi32, #tpu.memory_space<vmem>>)
    %get3A_399 = arith.constant 0 : index
    %get3A_400 = tpu.vector_load %arg15[%get3A_399] {strides = array<i32>} : memref<64xi32, #tpu.memory_space<vmem>>, vector<16xi32>,
    %get3A_401 = vector.shape_cast %get3A_400 : vector<16xi32> to vector<16xi32>
    %get3A_402 = arith.constant 0 : index
    %get3A_403 = tpu.vector_load %arg16[%get3A_402] {strides = array<i32>} : memref<64xi32, #tpu.memory_space<vmem>>, vector<16xi32>,
    %get3A_404 = vector.shape_cast %get3A_403 : vector<16xi32> to vector<16xi32>
    %eq3A_405 = arith.constant 0 : i32
    %eq3A_406 = vector.broadcast %eq3A_405 : i32 to vector<16xi32>
    %eq3A_407 = arith.cmpi eq, %get3A_401, %eq3A_406 : vector<16xi32>
    %jit3A_408 = arith.constant 0 : i32
    %broadcast_in_dim3A_409 = vector.broadcast %jit3A_408 : i32 to vector<16xi32>
    %select_n3A_410 = arith.select %eq3A_407, %broadcast_in_dim3A_6, %broadcast_in_dim3A_409 : vector<16xi1>, vector<16xi32>
    %add3A_411 = arith.addi %get3A_404, %select_n3A_410 : vector<16xi32>
    %eq3A_412 = arith.constant 1 : i32
    %eq3A_413 = vector.broadcast %eq3A_412 : i32 to vector<16xi32>
    %eq3A_414 = arith.cmpi eq, %get3A_401, %eq3A_413 : vector<16xi32>
    %jit3A_415 = arith.constant 0 : i32
    %broadcast_in_dim3A_416 = vector.broadcast %jit3A_415 : i32 to vector<16xi32>
    %select_n3A_417 = arith.select %eq3A_414, %add3A_18, %broadcast_in_dim3A_416 : vector<16xi1>, vector<16xi32>
    %add3A_418 = arith.addi %add3A_411, %select_n3A_417 : vector<16xi32>
    %eq3A_419 = arith.constant 2 : i32
    %eq3A_420 = vector.broadcast %eq3A_419 : i32 to vector<16xi32>
    %eq3A_421 = arith.cmpi eq, %get3A_401, %eq3A_420 : vector<16xi32>
    %jit3A_422 = arith.constant 0 : i32
    %broadcast_in_dim3A_423 = vector.broadcast %jit3A_422 : i32 to vector<16xi32>
    %select_n3A_424 = arith.select %eq3A_421, %add3A_33, %broadcast_in_dim3A_423 : vector<16xi1>, vector<16xi32>
    %add3A_425 = arith.addi %add3A_418, %select_n3A_424 : vector<16xi32>
    %eq3A_426 = arith.constant 3 : i32
    %eq3A_427 = vector.broadcast %eq3A_426 : i32 to vector<16xi32>
    %eq3A_428 = arith.cmpi eq, %get3A_401, %eq3A_427 : vector<16xi32>
    %jit3A_429 = arith.constant 0 : i32
    %broadcast_in_dim3A_430 = vector.broadcast %jit3A_429 : i32 to vector<16xi32>
    %select_n3A_431 = arith.select %eq3A_428, %add3A_48, %broadcast_in_dim3A_430 : vector<16xi1>, vector<16xi32>
    %add3A_432 = arith.addi %add3A_425, %select_n3A_431 : vector<16xi32>
    %eq3A_433 = arith.constant 4 : i32
    %eq3A_434 = vector.broadcast %eq3A_433 : i32 to vector<16xi32>
    %eq3A_435 = arith.cmpi eq, %get3A_401, %eq3A_434 : vector<16xi32>
    %jit3A_436 = arith.constant 0 : i32
    %broadcast_in_dim3A_437 = vector.broadcast %jit3A_436 : i32 to vector<16xi32>
    %select_n3A_438 = arith.select %eq3A_435, %add3A_63, %broadcast_in_dim3A_437 : vector<16xi1>, vector<16xi32>
    %add3A_439 = arith.addi %add3A_432, %select_n3A_438 : vector<16xi32>
    %eq3A_440 = arith.constant 5 : i32
    %eq3A_441 = vector.broadcast %eq3A_440 : i32 to vector<16xi32>
    %eq3A_442 = arith.cmpi eq, %get3A_401, %eq3A_441 : vector<16xi32>
    %jit3A_443 = arith.constant 0 : i32
    %broadcast_in_dim3A_444 = vector.broadcast %jit3A_443 : i32 to vector<16xi32>
    %select_n3A_445 = arith.select %eq3A_442, %add3A_78, %broadcast_in_dim3A_444 : vector<16xi1>, vector<16xi32>
    %add3A_446 = arith.addi %add3A_439, %select_n3A_445 : vector<16xi32>
    %eq3A_447 = arith.constant 6 : i32
    %eq3A_448 = vector.broadcast %eq3A_447 : i32 to vector<16xi32>
    %eq3A_449 = arith.cmpi eq, %get3A_401, %eq3A_448 : vector<16xi32>
    %jit3A_450 = arith.constant 0 : i32
    %broadcast_in_dim3A_451 = vector.broadcast %jit3A_450 : i32 to vector<16xi32>
    %select_n3A_452 = arith.select %eq3A_449, %add3A_93, %broadcast_in_dim3A_451 : vector<16xi1>, vector<16xi32>
    %add3A_453 = arith.addi %add3A_446, %select_n3A_452 : vector<16xi32>
    %eq3A_454 = arith.constant 7 : i32
    %eq3A_455 = vector.broadcast %eq3A_454 : i32 to vector<16xi32>
    %eq3A_456 = arith.cmpi eq, %get3A_401, %eq3A_455 : vector<16xi32>
    %jit3A_457 = arith.constant 0 : i32
    %broadcast_in_dim3A_458 = vector.broadcast %jit3A_457 : i32 to vector<16xi32>
    %select_n3A_459 = arith.select %eq3A_456, %add3A_108, %broadcast_in_dim3A_458 : vector<16xi1>, vector<16xi32>
    %add3A_460 = arith.addi %add3A_453, %select_n3A_459 : vector<16xi32>
    %swap3A_461 = arith.constant 0 : index
    %swap3A_462 = tpu.vector_load %arg18[%swap3A_461] {strides = array<i32>} : memref<64xi32, #tpu.memory_space<vmem>>, vector<16xi32>,
    %swap3A_463 = vector.shape_cast %swap3A_462 : vector<16xi32> to vector<16xi32>
    %swap3A_464 = vector.shape_cast %add3A_460 : vector<16xi32> to vector<16xi32>
    tpu.vector_store %arg18[%swap3A_461], %swap3A_464 {strides = array<i32>} : memref<64xi32, #tpu.memory_space<vmem>>, vector<16xi32>,
    %get3A_465 = arith.constant 16 : index
    %get3A_466 = tpu.vector_load %arg15[%get3A_465] {strides = array<i32>} : memref<64xi32, #tpu.memory_space<vmem>>, vector<16xi32>,
    %get3A_467 = vector.shape_cast %get3A_466 : vector<16xi32> to vector<16xi32>
    %get3A_468 = arith.constant 16 : index
    %get3A_469 = tpu.vector_load %arg16[%get3A_468] {strides = array<i32>} : memref<64xi32, #tpu.memory_space<vmem>>, vector<16xi32>,
    %get3A_470 = vector.shape_cast %get3A_469 : vector<16xi32> to vector<16xi32>
    %eq3A_471 = arith.constant 0 : i32
    %eq3A_472 = vector.broadcast %eq3A_471 : i32 to vector<16xi32>
    %eq3A_473 = arith.cmpi eq, %get3A_467, %eq3A_472 : vector<16xi32>
    %jit3A_474 = arith.constant 0 : i32
    %broadcast_in_dim3A_475 = vector.broadcast %jit3A_474 : i32 to vector<16xi32>
    %select_n3A_476 = arith.select %eq3A_473, %broadcast_in_dim3A_6, %broadcast_in_dim3A_475 : vector<16xi1>, vector<16xi32>
    %add3A_477 = arith.addi %get3A_470, %select_n3A_476 : vector<16xi32>
    %eq3A_478 = arith.constant 1 : i32
    %eq3A_479 = vector.broadcast %eq3A_478 : i32 to vector<16xi32>
    %eq3A_480 = arith.cmpi eq, %get3A_467, %eq3A_479 : vector<16xi32>
    %jit3A_481 = arith.constant 0 : i32
    %broadcast_in_dim3A_482 = vector.broadcast %jit3A_481 : i32 to vector<16xi32>
    %select_n3A_483 = arith.select %eq3A_480, %add3A_18, %broadcast_in_dim3A_482 : vector<16xi1>, vector<16xi32>
    %add3A_484 = arith.addi %add3A_477, %select_n3A_483 : vector<16xi32>
    %eq3A_485 = arith.constant 2 : i32
    %eq3A_486 = vector.broadcast %eq3A_485 : i32 to vector<16xi32>
    %eq3A_487 = arith.cmpi eq, %get3A_467, %eq3A_486 : vector<16xi32>
    %jit3A_488 = arith.constant 0 : i32
    %broadcast_in_dim3A_489 = vector.broadcast %jit3A_488 : i32 to vector<16xi32>
    %select_n3A_490 = arith.select %eq3A_487, %add3A_33, %broadcast_in_dim3A_489 : vector<16xi1>, vector<16xi32>
    %add3A_491 = arith.addi %add3A_484, %select_n3A_490 : vector<16xi32>
    %eq3A_492 = arith.constant 3 : i32
    %eq3A_493 = vector.broadcast %eq3A_492 : i32 to vector<16xi32>
    %eq3A_494 = arith.cmpi eq, %get3A_467, %eq3A_493 : vector<16xi32>
    %jit3A_495 = arith.constant 0 : i32
    %broadcast_in_dim3A_496 = vector.broadcast %jit3A_495 : i32 to vector<16xi32>
    %select_n3A_497 = arith.select %eq3A_494, %add3A_48, %broadcast_in_dim3A_496 : vector<16xi1>, vector<16xi32>
    %add3A_498 = arith.addi %add3A_491, %select_n3A_497 : vector<16xi32>
    %eq3A_499 = arith.constant 4 : i32
    %eq3A_500 = vector.broadcast %eq3A_499 : i32 to vector<16xi32>
    %eq3A_501 = arith.cmpi eq, %get3A_467, %eq3A_500 : vector<16xi32>
    %jit3A_502 = arith.constant 0 : i32
    %broadcast_in_dim3A_503 = vector.broadcast %jit3A_502 : i32 to vector<16xi32>
    %select_n3A_504 = arith.select %eq3A_501, %add3A_63, %broadcast_in_dim3A_503 : vector<16xi1>, vector<16xi32>
    %add3A_505 = arith.addi %add3A_498, %select_n3A_504 : vector<16xi32>
    %eq3A_506 = arith.constant 5 : i32
    %eq3A_507 = vector.broadcast %eq3A_506 : i32 to vector<16xi32>
    %eq3A_508 = arith.cmpi eq, %get3A_467, %eq3A_507 : vector<16xi32>
    %jit3A_509 = arith.constant 0 : i32
    %broadcast_in_dim3A_510 = vector.broadcast %jit3A_509 : i32 to vector<16xi32>
    %select_n3A_511 = arith.select %eq3A_508, %add3A_78, %broadcast_in_dim3A_510 : vector<16xi1>, vector<16xi32>
    %add3A_512 = arith.addi %add3A_505, %select_n3A_511 : vector<16xi32>
    %eq3A_513 = arith.constant 6 : i32
    %eq3A_514 = vector.broadcast %eq3A_513 : i32 to vector<16xi32>
    %eq3A_515 = arith.cmpi eq, %get3A_467, %eq3A_514 : vector<16xi32>
    %jit3A_516 = arith.constant 0 : i32
    %broadcast_in_dim3A_517 = vector.broadcast %jit3A_516 : i32 to vector<16xi32>
    %select_n3A_518 = arith.select %eq3A_515, %add3A_93, %broadcast_in_dim3A_517 : vector<16xi1>, vector<16xi32>
    %add3A_519 = arith.addi %add3A_512, %select_n3A_518 : vector<16xi32>
    %eq3A_520 = arith.constant 7 : i32
    %eq3A_521 = vector.broadcast %eq3A_520 : i32 to vector<16xi32>
    %eq3A_522 = arith.cmpi eq, %get3A_467, %eq3A_521 : vector<16xi32>
    %jit3A_523 = arith.constant 0 : i32
    %broadcast_in_dim3A_524 = vector.broadcast %jit3A_523 : i32 to vector<16xi32>
    %select_n3A_525 = arith.select %eq3A_522, %add3A_108, %broadcast_in_dim3A_524 : vector<16xi1>, vector<16xi32>
    %add3A_526 = arith.addi %add3A_519, %select_n3A_525 : vector<16xi32>
    %swap3A_527 = arith.constant 16 : index
    %swap3A_528 = tpu.vector_load %arg18[%swap3A_527] {strides = array<i32>} : memref<64xi32, #tpu.memory_space<vmem>>, vector<16xi32>,
    %swap3A_529 = vector.shape_cast %swap3A_528 : vector<16xi32> to vector<16xi32>
    %swap3A_530 = vector.shape_cast %add3A_526 : vector<16xi32> to vector<16xi32>
    tpu.vector_store %arg18[%swap3A_527], %swap3A_530 {strides = array<i32>} : memref<64xi32, #tpu.memory_space<vmem>>, vector<16xi32>,
    %get3A_531 = arith.constant 32 : index
    %get3A_532 = tpu.vector_load %arg15[%get3A_531] {strides = array<i32>} : memref<64xi32, #tpu.memory_space<vmem>>, vector<16xi32>,
    %get3A_533 = vector.shape_cast %get3A_532 : vector<16xi32> to vector<16xi32>
    %get3A_534 = arith.constant 32 : index
    %get3A_535 = tpu.vector_load %arg16[%get3A_534] {strides = array<i32>} : memref<64xi32, #tpu.memory_space<vmem>>, vector<16xi32>,
    %get3A_536 = vector.shape_cast %get3A_535 : vector<16xi32> to vector<16xi32>
    %eq3A_537 = arith.constant 0 : i32
    %eq3A_538 = vector.broadcast %eq3A_537 : i32 to vector<16xi32>
    %eq3A_539 = arith.cmpi eq, %get3A_533, %eq3A_538 : vector<16xi32>
    %jit3A_540 = arith.constant 0 : i32
    %broadcast_in_dim3A_541 = vector.broadcast %jit3A_540 : i32 to vector<16xi32>
    %select_n3A_542 = arith.select %eq3A_539, %broadcast_in_dim3A_6, %broadcast_in_dim3A_541 : vector<16xi1>, vector<16xi32>
    %add3A_543 = arith.addi %get3A_536, %select_n3A_542 : vector<16xi32>
    %eq3A_544 = arith.constant 1 : i32
    %eq3A_545 = vector.broadcast %eq3A_544 : i32 to vector<16xi32>
    %eq3A_546 = arith.cmpi eq, %get3A_533, %eq3A_545 : vector<16xi32>
    %jit3A_547 = arith.constant 0 : i32
    %broadcast_in_dim3A_548 = vector.broadcast %jit3A_547 : i32 to vector<16xi32>
    %select_n3A_549 = arith.select %eq3A_546, %add3A_18, %broadcast_in_dim3A_548 : vector<16xi1>, vector<16xi32>
    %add3A_550 = arith.addi %add3A_543, %select_n3A_549 : vector<16xi32>
    %eq3A_551 = arith.constant 2 : i32
    %eq3A_552 = vector.broadcast %eq3A_551 : i32 to vector<16xi32>
    %eq3A_553 = arith.cmpi eq, %get3A_533, %eq3A_552 : vector<16xi32>
    %jit3A_554 = arith.constant 0 : i32
    %broadcast_in_dim3A_555 = vector.broadcast %jit3A_554 : i32 to vector<16xi32>
    %select_n3A_556 = arith.select %eq3A_553, %add3A_33, %broadcast_in_dim3A_555 : vector<16xi1>, vector<16xi32>
    %add3A_557 = arith.addi %add3A_550, %select_n3A_556 : vector<16xi32>
    %eq3A_558 = arith.constant 3 : i32
    %eq3A_559 = vector.broadcast %eq3A_558 : i32 to vector<16xi32>
    %eq3A_560 = arith.cmpi eq, %get3A_533, %eq3A_559 : vector<16xi32>
    %jit3A_561 = arith.constant 0 : i32
    %broadcast_in_dim3A_562 = vector.broadcast %jit3A_561 : i32 to vector<16xi32>
    %select_n3A_563 = arith.select %eq3A_560, %add3A_48, %broadcast_in_dim3A_562 : vector<16xi1>, vector<16xi32>
    %add3A_564 = arith.addi %add3A_557, %select_n3A_563 : vector<16xi32>
    %eq3A_565 = arith.constant 4 : i32
    %eq3A_566 = vector.broadcast %eq3A_565 : i32 to vector<16xi32>
    %eq3A_567 = arith.cmpi eq, %get3A_533, %eq3A_566 : vector<16xi32>
    %jit3A_568 = arith.constant 0 : i32
    %broadcast_in_dim3A_569 = vector.broadcast %jit3A_568 : i32 to vector<16xi32>
    %select_n3A_570 = arith.select %eq3A_567, %add3A_63, %broadcast_in_dim3A_569 : vector<16xi1>, vector<16xi32>
    %add3A_571 = arith.addi %add3A_564, %select_n3A_570 : vector<16xi32>
    %eq3A_572 = arith.constant 5 : i32
    %eq3A_573 = vector.broadcast %eq3A_572 : i32 to vector<16xi32>
    %eq3A_574 = arith.cmpi eq, %get3A_533, %eq3A_573 : vector<16xi32>
    %jit3A_575 = arith.constant 0 : i32
    %broadcast_in_dim3A_576 = vector.broadcast %jit3A_575 : i32 to vector<16xi32>
    %select_n3A_577 = arith.select %eq3A_574, %add3A_78, %broadcast_in_dim3A_576 : vector<16xi1>, vector<16xi32>
    %add3A_578 = arith.addi %add3A_571, %select_n3A_577 : vector<16xi32>
    %eq3A_579 = arith.constant 6 : i32
    %eq3A_580 = vector.broadcast %eq3A_579 : i32 to vector<16xi32>
    %eq3A_581 = arith.cmpi eq, %get3A_533, %eq3A_580 : vector<16xi32>
    %jit3A_582 = arith.constant 0 : i32
    %broadcast_in_dim3A_583 = vector.broadcast %jit3A_582 : i32 to vector<16xi32>
    %select_n3A_584 = arith.select %eq3A_581, %add3A_93, %broadcast_in_dim3A_583 : vector<16xi1>, vector<16xi32>
    %add3A_585 = arith.addi %add3A_578, %select_n3A_584 : vector<16xi32>
    %eq3A_586 = arith.constant 7 : i32
    %eq3A_587 = vector.broadcast %eq3A_586 : i32 to vector<16xi32>
    %eq3A_588 = arith.cmpi eq, %get3A_533, %eq3A_587 : vector<16xi32>
    %jit3A_589 = arith.constant 0 : i32
    %broadcast_in_dim3A_590 = vector.broadcast %jit3A_589 : i32 to vector<16xi32>
    %select_n3A_591 = arith.select %eq3A_588, %add3A_108, %broadcast_in_dim3A_590 : vector<16xi1>, vector<16xi32>
    %add3A_592 = arith.addi %add3A_585, %select_n3A_591 : vector<16xi32>
    %swap3A_593 = arith.constant 32 : index
    %swap3A_594 = tpu.vector_load %arg18[%swap3A_593] {strides = array<i32>} : memref<64xi32, #tpu.memory_space<vmem>>, vector<16xi32>,
    %swap3A_595 = vector.shape_cast %swap3A_594 : vector<16xi32> to vector<16xi32>
    %swap3A_596 = vector.shape_cast %add3A_592 : vector<16xi32> to vector<16xi32>
    tpu.vector_store %arg18[%swap3A_593], %swap3A_596 {strides = array<i32>} : memref<64xi32, #tpu.memory_space<vmem>>, vector<16xi32>,
    %get3A_597 = arith.constant 48 : index
    %get3A_598 = tpu.vector_load %arg15[%get3A_597] {strides = array<i32>} : memref<64xi32, #tpu.memory_space<vmem>>, vector<16xi32>,
    %get3A_599 = vector.shape_cast %get3A_598 : vector<16xi32> to vector<16xi32>
    %get3A_600 = arith.constant 48 : index
    %get3A_601 = tpu.vector_load %arg16[%get3A_600] {strides = array<i32>} : memref<64xi32, #tpu.memory_space<vmem>>, vector<16xi32>,
    %get3A_602 = vector.shape_cast %get3A_601 : vector<16xi32> to vector<16xi32>
    %eq3A_603 = arith.constant 0 : i32
    %eq3A_604 = vector.broadcast %eq3A_603 : i32 to vector<16xi32>
    %eq3A_605 = arith.cmpi eq, %get3A_599, %eq3A_604 : vector<16xi32>
    %jit3A_606 = arith.constant 0 : i32
    %broadcast_in_dim3A_607 = vector.broadcast %jit3A_606 : i32 to vector<16xi32>
    %select_n3A_608 = arith.select %eq3A_605, %broadcast_in_dim3A_6, %broadcast_in_dim3A_607 : vector<16xi1>, vector<16xi32>
    %add3A_609 = arith.addi %get3A_602, %select_n3A_608 : vector<16xi32>
    %eq3A_610 = arith.constant 1 : i32
    %eq3A_611 = vector.broadcast %eq3A_610 : i32 to vector<16xi32>
    %eq3A_612 = arith.cmpi eq, %get3A_599, %eq3A_611 : vector<16xi32>
    %jit3A_613 = arith.constant 0 : i32
    %broadcast_in_dim3A_614 = vector.broadcast %jit3A_613 : i32 to vector<16xi32>
    %select_n3A_615 = arith.select %eq3A_612, %add3A_18, %broadcast_in_dim3A_614 : vector<16xi1>, vector<16xi32>
    %add3A_616 = arith.addi %add3A_609, %select_n3A_615 : vector<16xi32>
    %eq3A_617 = arith.constant 2 : i32
    %eq3A_618 = vector.broadcast %eq3A_617 : i32 to vector<16xi32>
    %eq3A_619 = arith.cmpi eq, %get3A_599, %eq3A_618 : vector<16xi32>
    %jit3A_620 = arith.constant 0 : i32
    %broadcast_in_dim3A_621 = vector.broadcast %jit3A_620 : i32 to vector<16xi32>
    %select_n3A_622 = arith.select %eq3A_619, %add3A_33, %broadcast_in_dim3A_621 : vector<16xi1>, vector<16xi32>
    %add3A_623 = arith.addi %add3A_616, %select_n3A_622 : vector<16xi32>
    %eq3A_624 = arith.constant 3 : i32
    %eq3A_625 = vector.broadcast %eq3A_624 : i32 to vector<16xi32>
    %eq3A_626 = arith.cmpi eq, %get3A_599, %eq3A_625 : vector<16xi32>
    %jit3A_627 = arith.constant 0 : i32
    %broadcast_in_dim3A_628 = vector.broadcast %jit3A_627 : i32 to vector<16xi32>
    %select_n3A_629 = arith.select %eq3A_626, %add3A_48, %broadcast_in_dim3A_628 : vector<16xi1>, vector<16xi32>
    %add3A_630 = arith.addi %add3A_623, %select_n3A_629 : vector<16xi32>
    %eq3A_631 = arith.constant 4 : i32
    %eq3A_632 = vector.broadcast %eq3A_631 : i32 to vector<16xi32>
    %eq3A_633 = arith.cmpi eq, %get3A_599, %eq3A_632 : vector<16xi32>
    %jit3A_634 = arith.constant 0 : i32
    %broadcast_in_dim3A_635 = vector.broadcast %jit3A_634 : i32 to vector<16xi32>
    %select_n3A_636 = arith.select %eq3A_633, %add3A_63, %broadcast_in_dim3A_635 : vector<16xi1>, vector<16xi32>
    %add3A_637 = arith.addi %add3A_630, %select_n3A_636 : vector<16xi32>
    %eq3A_638 = arith.constant 5 : i32
    %eq3A_639 = vector.broadcast %eq3A_638 : i32 to vector<16xi32>
    %eq3A_640 = arith.cmpi eq, %get3A_599, %eq3A_639 : vector<16xi32>
    %jit3A_641 = arith.constant 0 : i32
    %broadcast_in_dim3A_642 = vector.broadcast %jit3A_641 : i32 to vector<16xi32>
    %select_n3A_643 = arith.select %eq3A_640, %add3A_78, %broadcast_in_dim3A_642 : vector<16xi1>, vector<16xi32>
    %add3A_644 = arith.addi %add3A_637, %select_n3A_643 : vector<16xi32>
    %eq3A_645 = arith.constant 6 : i32
    %eq3A_646 = vector.broadcast %eq3A_645 : i32 to vector<16xi32>
    %eq3A_647 = arith.cmpi eq, %get3A_599, %eq3A_646 : vector<16xi32>
    %jit3A_648 = arith.constant 0 : i32
    %broadcast_in_dim3A_649 = vector.broadcast %jit3A_648 : i32 to vector<16xi32>
    %select_n3A_650 = arith.select %eq3A_647, %add3A_93, %broadcast_in_dim3A_649 : vector<16xi1>, vector<16xi32>
    %add3A_651 = arith.addi %add3A_644, %select_n3A_650 : vector<16xi32>
    %eq3A_652 = arith.constant 7 : i32
    %eq3A_653 = vector.broadcast %eq3A_652 : i32 to vector<16xi32>
    %eq3A_654 = arith.cmpi eq, %get3A_599, %eq3A_653 : vector<16xi32>
    %jit3A_655 = arith.constant 0 : i32
    %broadcast_in_dim3A_656 = vector.broadcast %jit3A_655 : i32 to vector<16xi32>
    %select_n3A_657 = arith.select %eq3A_654, %add3A_108, %broadcast_in_dim3A_656 : vector<16xi1>, vector<16xi32>
    %add3A_658 = arith.addi %add3A_651, %select_n3A_657 : vector<16xi32>
    %swap3A_659 = arith.constant 48 : index
    %swap3A_660 = tpu.vector_load %arg18[%swap3A_659] {strides = array<i32>} : memref<64xi32, #tpu.memory_space<vmem>>, vector<16xi32>,
    %swap3A_661 = vector.shape_cast %swap3A_660 : vector<16xi32> to vector<16xi32>
    %swap3A_662 = vector.shape_cast %add3A_658 : vector<16xi32> to vector<16xi32>
    tpu.vector_store %arg18[%swap3A_659], %swap3A_662 {strides = array<i32>} : memref<64xi32, #tpu.memory_space<vmem>>, vector<16xi32>,
    %dma_start3A_663 = tpu.memref_slice %arg9[%mul3A_2] : memref<2048xi32, #tpu.memory_space<hbm>> -> memref<64xi32, #tpu.memory_space<hbm>>
    %dma_start3A_664 = tpu.memref_slice %arg9[%mul3A_2] : memref<2048xi32, #tpu.memory_space<hbm>> -> memref<64xi32, #tpu.memory_space<hbm>>
    tpu.enqueue_dma source(%arg17 : memref<64xi32, #tpu.memory_space<vmem>>) target(%dma_start3A_664 : memref<64xi32, #tpu.memory_space<hbm>>) target_semaphore(%arg22 : memref<!tpu.dma_semaphore, #tpu.memory_space<semaphore_mem>>)
    %dma_start3A_665 = tpu.memref_slice %arg10[%mul3A_2] : memref<2048xi32, #tpu.memory_space<hbm>> -> memref<64xi32, #tpu.memory_space<hbm>>
    %dma_start3A_666 = tpu.memref_slice %arg10[%mul3A_2] : memref<2048xi32, #tpu.memory_space<hbm>> -> memref<64xi32, #tpu.memory_space<hbm>>
    tpu.enqueue_dma source(%arg18 : memref<64xi32, #tpu.memory_space<vmem>>) target(%dma_start3A_666 : memref<64xi32, #tpu.memory_space<hbm>>) target_semaphore(%arg23 : memref<!tpu.dma_semaphore, #tpu.memory_space<semaphore_mem>>)
    %dma_wait3A_667 = arith.constant 0 : i32
    %dma_wait3A_668 = tpu.memref_slice %arg2[%mul3A_2, %dma_wait3A_667] : memref<2048x768xf32, #tpu.memory_space<hbm>> -> memref<64x768xf32, #tpu.memory_space<hbm>>
    %dma_wait3A_669 = arith.constant 0 : i32
    %dma_wait3A_670 = tpu.memref_slice %arg2[%mul3A_2, %dma_wait3A_669] : memref<2048x768xf32, #tpu.memory_space<hbm>> -> memref<64x768xf32, #tpu.memory_space<hbm>>
    tpu.wait_dma2 semaphore(%arg24 : memref<!tpu.dma_semaphore, #tpu.memory_space<semaphore_mem>>) src(%dma_wait3A_670 : memref<64x768xf32, #tpu.memory_space<hbm>>) dst(%arg19 : memref<64x768xf32, #tpu.memory_space<vmem>>)
    %dma_wait3A_671 = tpu.memref_slice %arg9[%mul3A_2] : memref<2048xi32, #tpu.memory_space<hbm>> -> memref<64xi32, #tpu.memory_space<hbm>>
    %dma_wait3A_672 = tpu.memref_slice %arg9[%mul3A_2] : memref<2048xi32, #tpu.memory_space<hbm>> -> memref<64xi32, #tpu.memory_space<hbm>>
    tpu.wait_dma2 semaphore(%arg22 : memref<!tpu.dma_semaphore, #tpu.memory_space<semaphore_mem>>) src(%arg17 : memref<64xi32, #tpu.memory_space<vmem>>) dst(%dma_wait3A_672 : memref<64xi32, #tpu.memory_space<hbm>>)
    %dma_wait3A_673 = tpu.memref_slice %arg10[%mul3A_2] : memref<2048xi32, #tpu.memory_space<hbm>> -> memref<64xi32, #tpu.memory_space<hbm>>
    %dma_wait3A_674 = tpu.memref_slice %arg10[%mul3A_2] : memref<2048xi32, #tpu.memory_space<hbm>> -> memref<64xi32, #tpu.memory_space<hbm>>
    tpu.wait_dma2 semaphore(%arg23 : memref<!tpu.dma_semaphore, #tpu.memory_space<semaphore_mem>>) src(%arg18 : memref<64xi32, #tpu.memory_space<vmem>>) dst(%dma_wait3A_674 : memref<64xi32, #tpu.memory_space<hbm>>)
    %dma_start3A_675 = arith.constant 0 : i32
    %dma_start3A_676 = arith.constant 0 : i32
    %dma_start3A_677 = tpu.memref_slice %arg8[%dma_start3A_675, %dma_start3A_676] : memref<8192x768xf32, #tpu.memory_space<hbm>> -> memref<8192x768xf32, #tpu.memory_space<hbm>>
    tpu.enqueue_indirect_dma source(%arg19 : memref<64x768xf32, #tpu.memory_space<vmem>>) target(%dma_start3A_677 : memref<8192x768xf32, #tpu.memory_space<hbm>>) offsets(%arg17 : memref<64xi32, #tpu.memory_space<vmem>>) semaphore(%arg22 : memref<!tpu.dma_semaphore, #tpu.memory_space<semaphore_mem>>)
    %dma_start3A_678 = arith.constant 0 : i32
    %dma_start3A_679 = arith.constant 0 : i32
    %dma_start3A_680 = tpu.memref_slice %arg8[%dma_start3A_678, %dma_start3A_679] : memref<8192x768xf32, #tpu.memory_space<hbm>> -> memref<8192x768xf32, #tpu.memory_space<hbm>>
    tpu.enqueue_indirect_dma source(%arg19 : memref<64x768xf32, #tpu.memory_space<vmem>>) target(%dma_start3A_680 : memref<8192x768xf32, #tpu.memory_space<hbm>>) offsets(%arg18 : memref<64xi32, #tpu.memory_space<vmem>>) semaphore(%arg23 : memref<!tpu.dma_semaphore, #tpu.memory_space<semaphore_mem>>)
    %iota3A = tpu.iota {dimensions = array<i32: 0>} : vector<16xi32>
    %add3A_681 = arith.constant 0 : i32
    %add3A_682 = vector.broadcast %add3A_681 : i32 to vector<16xi32>
    %add3A_683 = arith.addi %iota3A, %add3A_682 : vector<16xi32>
    %mul3A_684 = arith.constant 512 : i32
    %mul3A_685 = vector.broadcast %mul3A_684 : i32 to vector<16xi32>
    %mul3A_686 = arith.muli %add3A_683, %mul3A_685 : vector<16xi32>
    %broadcast_in_dim3A_687 = arith.constant 0 : i32
    %broadcast_in_dim3A_688 = vector.broadcast %broadcast_in_dim3A_687 : i32 to vector<16xi32>
    %ge3A = arith.cmpi sge, %mul3A_686, %add3A_18 : vector<16xi32>
    %jit3A_689 = arith.constant 1 : i32
    %jit3A_690 = arith.constant 0 : i32
    %broadcast_in_dim3A_691 = vector.broadcast %jit3A_689 : i32 to vector<16xi32>
    %broadcast_in_dim3A_692 = vector.broadcast %jit3A_690 : i32 to vector<16xi32>
    %select_n3A_693 = arith.select %ge3A, %broadcast_in_dim3A_691, %broadcast_in_dim3A_692 : vector<16xi1>, vector<16xi32>
    %add3A_694 = arith.addi %broadcast_in_dim3A_688, %select_n3A_693 : vector<16xi32>
    %ge3A_695 = arith.cmpi sge, %mul3A_686, %add3A_33 : vector<16xi32>
    %jit3A_696 = arith.constant 1 : i32
    %jit3A_697 = arith.constant 0 : i32
    %broadcast_in_dim3A_698 = vector.broadcast %jit3A_696 : i32 to vector<16xi32>
    %broadcast_in_dim3A_699 = vector.broadcast %jit3A_697 : i32 to vector<16xi32>
    %select_n3A_700 = arith.select %ge3A_695, %broadcast_in_dim3A_698, %broadcast_in_dim3A_699 : vector<16xi1>, vector<16xi32>
    %add3A_701 = arith.addi %add3A_694, %select_n3A_700 : vector<16xi32>
    %ge3A_702 = arith.cmpi sge, %mul3A_686, %add3A_48 : vector<16xi32>
    %jit3A_703 = arith.constant 1 : i32
    %jit3A_704 = arith.constant 0 : i32
    %broadcast_in_dim3A_705 = vector.broadcast %jit3A_703 : i32 to vector<16xi32>
    %broadcast_in_dim3A_706 = vector.broadcast %jit3A_704 : i32 to vector<16xi32>
    %select_n3A_707 = arith.select %ge3A_702, %broadcast_in_dim3A_705, %broadcast_in_dim3A_706 : vector<16xi1>, vector<16xi32>
    %add3A_708 = arith.addi %add3A_701, %select_n3A_707 : vector<16xi32>
    %ge3A_709 = arith.cmpi sge, %mul3A_686, %add3A_63 : vector<16xi32>
    %jit3A_710 = arith.constant 1 : i32
    %jit3A_711 = arith.constant 0 : i32
    %broadcast_in_dim3A_712 = vector.broadcast %jit3A_710 : i32 to vector<16xi32>
    %broadcast_in_dim3A_713 = vector.broadcast %jit3A_711 : i32 to vector<16xi32>
    %select_n3A_714 = arith.select %ge3A_709, %broadcast_in_dim3A_712, %broadcast_in_dim3A_713 : vector<16xi1>, vector<16xi32>
    %add3A_715 = arith.addi %add3A_708, %select_n3A_714 : vector<16xi32>
    %ge3A_716 = arith.cmpi sge, %mul3A_686, %add3A_78 : vector<16xi32>
    %jit3A_717 = arith.constant 1 : i32
    %jit3A_718 = arith.constant 0 : i32
    %broadcast_in_dim3A_719 = vector.broadcast %jit3A_717 : i32 to vector<16xi32>
    %broadcast_in_dim3A_720 = vector.broadcast %jit3A_718 : i32 to vector<16xi32>
    %select_n3A_721 = arith.select %ge3A_716, %broadcast_in_dim3A_719, %broadcast_in_dim3A_720 : vector<16xi1>, vector<16xi32>
    %add3A_722 = arith.addi %add3A_715, %select_n3A_721 : vector<16xi32>
    %ge3A_723 = arith.cmpi sge, %mul3A_686, %add3A_93 : vector<16xi32>
    %jit3A_724 = arith.constant 1 : i32
    %jit3A_725 = arith.constant 0 : i32
    %broadcast_in_dim3A_726 = vector.broadcast %jit3A_724 : i32 to vector<16xi32>
    %broadcast_in_dim3A_727 = vector.broadcast %jit3A_725 : i32 to vector<16xi32>
    %select_n3A_728 = arith.select %ge3A_723, %broadcast_in_dim3A_726, %broadcast_in_dim3A_727 : vector<16xi1>, vector<16xi32>
    %add3A_729 = arith.addi %add3A_722, %select_n3A_728 : vector<16xi32>
    %ge3A_730 = arith.cmpi sge, %mul3A_686, %add3A_108 : vector<16xi32>
    %jit3A_731 = arith.constant 1 : i32
    %jit3A_732 = arith.constant 0 : i32
    %broadcast_in_dim3A_733 = vector.broadcast %jit3A_731 : i32 to vector<16xi32>
    %broadcast_in_dim3A_734 = vector.broadcast %jit3A_732 : i32 to vector<16xi32>
    %select_n3A_735 = arith.select %ge3A_730, %broadcast_in_dim3A_733, %broadcast_in_dim3A_734 : vector<16xi1>, vector<16xi32>
    %add3A_736 = arith.addi %add3A_729, %select_n3A_735 : vector<16xi32>
    %ge3A_737 = arith.cmpi sge, %mul3A_686, %add3A_123 : vector<16xi32>
    %jit3A_738 = arith.constant 1 : i32
    %jit3A_739 = arith.constant 0 : i32
    %broadcast_in_dim3A_740 = vector.broadcast %jit3A_738 : i32 to vector<16xi32>
    %broadcast_in_dim3A_741 = vector.broadcast %jit3A_739 : i32 to vector<16xi32>
    %select_n3A_742 = arith.select %ge3A_737, %broadcast_in_dim3A_740, %broadcast_in_dim3A_741 : vector<16xi1>, vector<16xi32>
    %add3A_743 = arith.addi %add3A_736, %select_n3A_742 : vector<16xi32>
    %min3A = arith.constant 7 : i32
    %min3A_744 = vector.broadcast %min3A : i32 to vector<16xi32>
    %min3A_745 = arith.minsi %add3A_743, %min3A_744 : vector<16xi32>
    %swap3A_746 = arith.constant 0 : index
    %swap3A_747 = tpu.vector_load %arg20[%swap3A_746] {strides = array<i32>} : memref<16xi32, #tpu.memory_space<vmem>>, vector<16xi32>,
    %swap3A_748 = vector.shape_cast %swap3A_747 : vector<16xi32> to vector<16xi32>
    %swap3A_749 = vector.shape_cast %min3A_745 : vector<16xi32> to vector<16xi32>
    tpu.vector_store %arg20[%swap3A_746], %swap3A_749 {strides = array<i32>} : memref<16xi32, #tpu.memory_space<vmem>>, vector<16xi32>,
    %eq3A_750 = arith.constant 0 : i32
    %eq3A_751 = arith.cmpi eq, %add3A, %eq3A_750 : i32
    %convert_element_type3A = arith.extui %eq3A_751 : i1 to i32
    %cond3A = arith.constant 0 : i32
    %cond3A_752 = arith.cmpi ne, %convert_element_type3A, %cond3A : i32
    scf.if %cond3A_752 {
      "tpu.region"() ({
        %run_scoped3A_780 = tpu.sem_alloc : memref<!tpu.dma_semaphore, #tpu.memory_space<semaphore_mem>>
        %dma_start3A_781 = arith.constant 0 : i32
        %dma_start3A_782 = tpu.memref_slice %arg11[%dma_start3A_781] : memref<128xi32, #tpu.memory_space<hbm>> -> memref<16xi32, #tpu.memory_space<hbm>>
        %dma_start3A_783 = arith.constant 0 : i32
        %dma_start3A_784 = tpu.memref_slice %arg11[%dma_start3A_783] : memref<128xi32, #tpu.memory_space<hbm>> -> memref<16xi32, #tpu.memory_space<hbm>>
        tpu.enqueue_dma source(%arg20 : memref<16xi32, #tpu.memory_space<vmem>>) target(%dma_start3A_784 : memref<16xi32, #tpu.memory_space<hbm>>) target_semaphore(%run_scoped3A_780 : memref<!tpu.dma_semaphore, #tpu.memory_space<semaphore_mem>>)
        %dma_wait3A_785 = arith.constant 0 : i32
        %dma_wait3A_786 = tpu.memref_slice %arg11[%dma_wait3A_785] : memref<128xi32, #tpu.memory_space<hbm>> -> memref<16xi32, #tpu.memory_space<hbm>>
        %dma_wait3A_787 = arith.constant 0 : i32
        %dma_wait3A_788 = tpu.memref_slice %arg11[%dma_wait3A_787] : memref<128xi32, #tpu.memory_space<hbm>> -> memref<16xi32, #tpu.memory_space<hbm>>
        tpu.wait_dma2 semaphore(%run_scoped3A_780 : memref<!tpu.dma_semaphore, #tpu.memory_space<semaphore_mem>>) src(%arg20 : memref<16xi32, #tpu.memory_space<vmem>>) dst(%dma_wait3A_788 : memref<16xi32, #tpu.memory_space<hbm>>)
        tpu.yield
      }) : () -> ()
    } else {
    }
    %iota3A_753 = tpu.iota {dimensions = array<i32: 0>} : vector<16xi32>
    %add3A_754 = arith.constant 0 : i32
    %add3A_755 = vector.broadcast %add3A_754 : i32 to vector<16xi32>
    %add3A_756 = arith.addi %iota3A_753, %add3A_755 : vector<16xi32>
    %mul3A_757 = arith.constant 512 : i32
    %mul3A_758 = vector.broadcast %mul3A_757 : i32 to vector<16xi32>
    %mul3A_759 = arith.muli %add3A_756, %mul3A_758 : vector<16xi32>
    %lt3A = arith.cmpi slt, %mul3A_759, %add3A_123 : vector<16xi32>
    %jit3A_760 = arith.constant 1 : i32
    %jit3A_761 = arith.constant 0 : i32
    %broadcast_in_dim3A_762 = vector.broadcast %jit3A_760 : i32 to vector<16xi32>
    %broadcast_in_dim3A_763 = vector.broadcast %jit3A_761 : i32 to vector<16xi32>
    %select_n3A_764 = arith.select %lt3A, %broadcast_in_dim3A_762, %broadcast_in_dim3A_763 : vector<16xi1>, vector<16xi32>
    %swap3A_765 = arith.constant 0 : index
    %swap3A_766 = tpu.vector_load %arg21[%swap3A_765] {strides = array<i32>} : memref<16xi32, #tpu.memory_space<vmem>>, vector<16xi32>,
    %swap3A_767 = vector.shape_cast %swap3A_766 : vector<16xi32> to vector<16xi32>
    %swap3A_768 = vector.shape_cast %select_n3A_764 : vector<16xi32> to vector<16xi32>
    tpu.vector_store %arg21[%swap3A_765], %swap3A_768 {strides = array<i32>} : memref<16xi32, #tpu.memory_space<vmem>>, vector<16xi32>,
    %eq3A_769 = arith.constant 0 : i32
    %eq3A_770 = arith.cmpi eq, %add3A, %eq3A_769 : i32
    %convert_element_type3A_771 = arith.extui %eq3A_770 : i1 to i32
    %cond3A_772 = arith.constant 0 : i32
    %cond3A_773 = arith.cmpi ne, %convert_element_type3A_771, %cond3A_772 : i32
    scf.if %cond3A_773 {
      "tpu.region"() ({
        %run_scoped3A_780 = tpu.sem_alloc : memref<!tpu.dma_semaphore, #tpu.memory_space<semaphore_mem>>
        %dma_start3A_781 = arith.constant 64 : i32
        %dma_start3A_782 = tpu.memref_slice %arg11[%dma_start3A_781] : memref<128xi32, #tpu.memory_space<hbm>> -> memref<16xi32, #tpu.memory_space<hbm>>
        %dma_start3A_783 = arith.constant 64 : i32
        %dma_start3A_784 = tpu.memref_slice %arg11[%dma_start3A_783] : memref<128xi32, #tpu.memory_space<hbm>> -> memref<16xi32, #tpu.memory_space<hbm>>
        tpu.enqueue_dma source(%arg21 : memref<16xi32, #tpu.memory_space<vmem>>) target(%dma_start3A_784 : memref<16xi32, #tpu.memory_space<hbm>>) target_semaphore(%run_scoped3A_780 : memref<!tpu.dma_semaphore, #tpu.memory_space<semaphore_mem>>)
        %dma_wait3A_785 = arith.constant 64 : i32
        %dma_wait3A_786 = tpu.memref_slice %arg11[%dma_wait3A_785] : memref<128xi32, #tpu.memory_space<hbm>> -> memref<16xi32, #tpu.memory_space<hbm>>
        %dma_wait3A_787 = arith.constant 64 : i32
        %dma_wait3A_788 = tpu.memref_slice %arg11[%dma_wait3A_787] : memref<128xi32, #tpu.memory_space<hbm>> -> memref<16xi32, #tpu.memory_space<hbm>>
        tpu.wait_dma2 semaphore(%run_scoped3A_780 : memref<!tpu.dma_semaphore, #tpu.memory_space<semaphore_mem>>) src(%arg21 : memref<16xi32, #tpu.memory_space<vmem>>) dst(%dma_wait3A_788 : memref<16xi32, #tpu.memory_space<hbm>>)
        tpu.yield
      }) : () -> ()
    } else {
    }
    %dma_wait3A_774 = arith.constant 0 : i32
    %dma_wait3A_775 = arith.constant 0 : i32
    %dma_wait3A_776 = tpu.memref_slice %arg8[%dma_wait3A_774, %dma_wait3A_775] : memref<8192x768xf32, #tpu.memory_space<hbm>> -> memref<8192x768xf32, #tpu.memory_space<hbm>>
    tpu.wait_indirect_dma semaphore(%arg22 : memref<!tpu.dma_semaphore, #tpu.memory_space<semaphore_mem>>) src(%arg19 : memref<64x768xf32, #tpu.memory_space<vmem>>) dst(%dma_wait3A_776 : memref<8192x768xf32, #tpu.memory_space<hbm>>)
    %dma_wait3A_777 = arith.constant 0 : i32
    %dma_wait3A_778 = arith.constant 0 : i32
    %dma_wait3A_779 = tpu.memref_slice %arg8[%dma_wait3A_777, %dma_wait3A_778] : memref<8192x768xf32, #tpu.memory_space<hbm>> -> memref<8192x768xf32, #tpu.memory_space<hbm>>
    tpu.wait_indirect_dma semaphore(%arg23 : memref<!tpu.dma_semaphore, #tpu.memory_space<semaphore_mem>>) src(%arg19 : memref<64x768xf32, #tpu.memory_space<vmem>>) dst(%dma_wait3A_779 : memref<8192x768xf32, #tpu.memory_space<hbm>>)
    return
  }
}

module attributes {stable_mosaic.version = 14 : i64} {
  func.func @_router_kernel(%arg0: i32, %arg1: memref<256x768xf32, #tpu.memory_space<vmem>>, %arg2: memref<8x768xf32, #tpu.memory_space<vmem>>, %arg3: memref<256x256xf32, #tpu.memory_space<vmem>>, %arg4: memref<1x1x256xi32, #tpu.memory_space<vmem>>, %arg5: memref<1x1x256xi32, #tpu.memory_space<vmem>>, %arg6: memref<1x1x256xi32, #tpu.memory_space<vmem>>, %arg7: memref<1x1x256xi32, #tpu.memory_space<vmem>>, %arg8: memref<256x128xf32, #tpu.memory_space<vmem>>, %arg9: memref<256x128xf32, #tpu.memory_space<vmem>>, %arg10: memref<1x16x128xi32, #tpu.memory_space<vmem>>, %arg11: memref<16x1xi32, #tpu.memory_space<vmem>>) attributes {dimension_semantics = [#tpu.dimension_semantics<arbitrary>], iteration_bounds = array<i64: 8>, scalar_prefetch = 0 : i64, scratch_operands = 1 : i64, tpu.core_type = #tpu.core_type<tc>, window_params = [{transform_indices = @transform_0, window_bounds = array<i64: 256, 768>}, {pipeline_mode = #tpu.pipeline_mode<synchronous>, transform_indices = @transform_1, window_bounds = array<i64: 8, 768>}, {pipeline_mode = #tpu.pipeline_mode<synchronous>, transform_indices = @transform_2, window_bounds = array<i64: 256, 256>}, {transform_indices = @transform_3, window_bounds = array<i64: 1, 1, 256>}, {transform_indices = @transform_4, window_bounds = array<i64: 1, 1, 256>}, {transform_indices = @transform_5, window_bounds = array<i64: 1, 1, 256>}, {transform_indices = @transform_6, window_bounds = array<i64: 1, 1, 256>}, {transform_indices = @transform_7, window_bounds = array<i64: 256, 128>}, {transform_indices = @transform_8, window_bounds = array<i64: 256, 128>}, {pipeline_mode = #tpu.pipeline_mode<synchronous>, transform_indices = @transform_9, window_bounds = array<i64: 1, 16, 128>}]} {
    %get3A = arith.constant 0 : index
    %get3A_0 = arith.constant 0 : index
    %get3A_1 = vector.load %arg1[%get3A, %get3A_0] : memref<256x768xf32, #tpu.memory_space<vmem>>, vector<256x768xf32>
    %eq3A = arith.constant 0 : i32
    %eq3A_2 = arith.cmpi eq, %arg0, %eq3A : i32
    %convert_element_type3A = arith.extui %eq3A_2 : i1 to i32
    %cond3A = arith.constant 0 : i32
    %cond3A_3 = arith.cmpi ne, %convert_element_type3A, %cond3A : i32
    scf.if %cond3A_3 {
      %broadcast_in_dim3A_155 = arith.constant 0 : i32
      %broadcast_in_dim3A_156 = vector.broadcast %broadcast_in_dim3A_155 : i32 to vector<16x1xi32>
      %swap3A_157 = arith.constant 0 : index
      %swap3A_158 = arith.constant 0 : index
      %swap3A_159 = vector.load %arg11[%swap3A_157, %swap3A_158] : memref<16x1xi32, #tpu.memory_space<vmem>>, vector<16x1xi32>
      tpu.vector_store %arg11[%swap3A_157, %swap3A_158], %broadcast_in_dim3A_156 {strides = array<i32>} : memref<16x1xi32, #tpu.memory_space<vmem>>, vector<16x1xi32>,
    } else {
    }
    %get3A_4 = arith.constant 0 : index
    %get3A_5 = arith.constant 0 : index
    %get3A_6 = vector.load %arg2[%get3A_4, %get3A_5] : memref<8x768xf32, #tpu.memory_space<vmem>>, vector<8x768xf32>
    %dot_general3A = arith.constant dense<0.000000e+00> : vector<256x8xf32>
    %dot_general3A_7 = tpu.matmul %get3A_1, %get3A_6, %dot_general3A {dimension_numbers = #tpu.dot_dimension_numbers<[1], [1], [0], [0], [0, 0, 1, 0], [], []>, transpose_lhs_hint = false} : vector<256x768xf32>, vector<8x768xf32>, vector<256x8xf32> -> vector<256x8xf32>
    %logistic3A = arith.negf %dot_general3A_7 : vector<256x8xf32>
    %logistic3A_8 = math.exp %logistic3A : vector<256x8xf32>
    %logistic3A_9 = arith.constant 1.000000e+00 : f32
    %logistic3A_10 = vector.broadcast %logistic3A_9 : f32 to vector<256x8xf32>
    %logistic3A_11 = arith.addf %logistic3A_10, %logistic3A_8 : vector<256x8xf32>
    %logistic3A_12 = arith.divf %logistic3A_10, %logistic3A_11 : vector<256x8xf32>
    %iota3A = tpu.iota {dimensions = array<i32: 1>} : vector<256x8xi32>
    %reduce_max3A = arith.constant dense<0xFF800000> : vector<256xf32>
    %reduce_max3A_13 = vector.multi_reduction <maximumf>, %logistic3A_12, %reduce_max3A [1] : vector<256x8xf32> to vector<256xf32>
    %broadcast_in_dim3A = vector.shape_cast %reduce_max3A_13 : vector<256xf32> to vector<256x1xf32>
    %eq3A_14 = vector.broadcast %broadcast_in_dim3A : vector<256x1xf32> to vector<256x8xf32>
    %eq3A_15 = arith.cmpf oeq, %logistic3A_12, %eq3A_14 : vector<256x8xf32>
    %jit3A = arith.constant 8 : i32
    %broadcast_in_dim3A_16 = vector.broadcast %jit3A : i32 to vector<256x8xi32>
    %select_n3A = arith.select %eq3A_15, %iota3A, %broadcast_in_dim3A_16 : vector<256x8xi1>, vector<256x8xi32>
    %reduce_min3A = arith.constant dense<2147483647> : vector<256xi32>
    %reduce_min3A_17 = vector.multi_reduction <minsi>, %select_n3A, %reduce_min3A [1] : vector<256x8xi32> to vector<256xi32>
    %broadcast_in_dim3A_18 = vector.shape_cast %reduce_min3A_17 : vector<256xi32> to vector<256x1xi32>
    %eq3A_19 = vector.broadcast %broadcast_in_dim3A_18 : vector<256x1xi32> to vector<256x8xi32>
    %eq3A_20 = arith.cmpi eq, %iota3A, %eq3A_19 : vector<256x8xi32>
    %jit3A_21 = arith.constant 0xFF800000 : f32
    %broadcast_in_dim3A_22 = vector.broadcast %jit3A_21 : f32 to vector<256x8xf32>
    %select_n3A_23 = arith.select %eq3A_20, %broadcast_in_dim3A_22, %logistic3A_12 : vector<256x8xi1>, vector<256x8xf32>
    %reduce_max3A_24 = arith.constant dense<0xFF800000> : vector<256xf32>
    %reduce_max3A_25 = vector.multi_reduction <maximumf>, %select_n3A_23, %reduce_max3A_24 [1] : vector<256x8xf32> to vector<256xf32>
    %broadcast_in_dim3A_26 = vector.shape_cast %reduce_max3A_25 : vector<256xf32> to vector<256x1xf32>
    %add3A = arith.addf %broadcast_in_dim3A, %broadcast_in_dim3A_26 : vector<256x1xf32>
    %add3A_27 = arith.constant 9.99999968E-21 : f32
    %add3A_28 = vector.broadcast %add3A_27 : f32 to vector<256x1xf32>
    %add3A_29 = arith.addf %add3A, %add3A_28 : vector<256x1xf32>
    %mul3A = arith.constant 2.500000e+00 : f32
    %mul3A_30 = vector.broadcast %mul3A : f32 to vector<256x1xf32>
    %mul3A_31 = arith.mulf %mul3A_30, %broadcast_in_dim3A : vector<256x1xf32>
    %div3A = arith.divf %mul3A_31, %add3A_29 : vector<256x1xf32>
    %broadcast_in_dim3A_32 = vector.shape_cast %div3A : vector<256x1xf32> to vector<256x1xf32>
    %broadcast_in_dim3A_33 = vector.broadcast %broadcast_in_dim3A_32 : vector<256x1xf32> to vector<256x128xf32>
    %swap3A = arith.constant 0 : index
    %swap3A_34 = arith.constant 0 : index
    %swap3A_35 = vector.load %arg8[%swap3A, %swap3A_34] : memref<256x128xf32, #tpu.memory_space<vmem>>, vector<256x128xf32>
    tpu.vector_store %arg8[%swap3A, %swap3A_34], %broadcast_in_dim3A_33 {strides = array<i32>} : memref<256x128xf32, #tpu.memory_space<vmem>>, vector<256x128xf32>,
    %mul3A_36 = arith.constant 2.500000e+00 : f32
    %mul3A_37 = vector.broadcast %mul3A_36 : f32 to vector<256x1xf32>
    %mul3A_38 = arith.mulf %mul3A_37, %broadcast_in_dim3A_26 : vector<256x1xf32>
    %div3A_39 = arith.divf %mul3A_38, %add3A_29 : vector<256x1xf32>
    %broadcast_in_dim3A_40 = vector.shape_cast %div3A_39 : vector<256x1xf32> to vector<256x1xf32>
    %broadcast_in_dim3A_41 = vector.broadcast %broadcast_in_dim3A_40 : vector<256x1xf32> to vector<256x128xf32>
    %swap3A_42 = arith.constant 0 : index
    %swap3A_43 = arith.constant 0 : index
    %swap3A_44 = vector.load %arg9[%swap3A_42, %swap3A_43] : memref<256x128xf32, #tpu.memory_space<vmem>>, vector<256x128xf32>
    tpu.vector_store %arg9[%swap3A_42, %swap3A_43], %broadcast_in_dim3A_41 {strides = array<i32>} : memref<256x128xf32, #tpu.memory_space<vmem>>, vector<256x128xf32>,
    %get3A_45 = arith.constant 0 : index
    %get3A_46 = arith.constant 0 : index
    %get3A_47 = vector.load %arg2[%get3A_45, %get3A_46] : memref<8x768xf32, #tpu.memory_space<vmem>>, vector<8x768xf32>
    %dot_general3A_48 = arith.constant dense<0.000000e+00> : vector<8x256xf32>
    %dot_general3A_49 = tpu.matmul %get3A_47, %get3A_1, %dot_general3A_48 {dimension_numbers = #tpu.dot_dimension_numbers<[1], [1], [0], [0], [0, 0, 1, 0], [], []>, transpose_lhs_hint = false} : vector<8x768xf32>, vector<256x768xf32>, vector<8x256xf32> -> vector<8x256xf32>
    %logistic3A_50 = arith.negf %dot_general3A_49 : vector<8x256xf32>
    %logistic3A_51 = math.exp %logistic3A_50 : vector<8x256xf32>
    %logistic3A_52 = arith.constant 1.000000e+00 : f32
    %logistic3A_53 = vector.broadcast %logistic3A_52 : f32 to vector<8x256xf32>
    %logistic3A_54 = arith.addf %logistic3A_53, %logistic3A_51 : vector<8x256xf32>
    %logistic3A_55 = arith.divf %logistic3A_53, %logistic3A_54 : vector<8x256xf32>
    %iota3A_56 = tpu.iota {dimensions = array<i32: 0>} : vector<8x256xi32>
    %reduce_max3A_57 = arith.constant dense<0xFF800000> : vector<256xf32>
    %reduce_max3A_58 = vector.multi_reduction <maximumf>, %logistic3A_55, %reduce_max3A_57 [0] : vector<8x256xf32> to vector<256xf32>
    %broadcast_in_dim3A_59 = vector.shape_cast %reduce_max3A_58 : vector<256xf32> to vector<1x256xf32>
    %eq3A_60 = vector.broadcast %broadcast_in_dim3A_59 : vector<1x256xf32> to vector<8x256xf32>
    %eq3A_61 = arith.cmpf oeq, %logistic3A_55, %eq3A_60 : vector<8x256xf32>
    %jit3A_62 = arith.constant 8 : i32
    %broadcast_in_dim3A_63 = vector.broadcast %jit3A_62 : i32 to vector<8x256xi32>
    %select_n3A_64 = arith.select %eq3A_61, %iota3A_56, %broadcast_in_dim3A_63 : vector<8x256xi1>, vector<8x256xi32>
    %reduce_min3A_65 = arith.constant dense<2147483647> : vector<256xi32>
    %reduce_min3A_66 = vector.multi_reduction <minsi>, %select_n3A_64, %reduce_min3A_65 [0] : vector<8x256xi32> to vector<256xi32>
    %broadcast_in_dim3A_67 = vector.shape_cast %reduce_min3A_66 : vector<256xi32> to vector<1x256xi32>
    %eq3A_68 = vector.broadcast %broadcast_in_dim3A_67 : vector<1x256xi32> to vector<8x256xi32>
    %eq3A_69 = arith.cmpi eq, %iota3A_56, %eq3A_68 : vector<8x256xi32>
    %jit3A_70 = arith.constant 0xFF800000 : f32
    %broadcast_in_dim3A_71 = vector.broadcast %jit3A_70 : f32 to vector<8x256xf32>
    %select_n3A_72 = arith.select %eq3A_69, %broadcast_in_dim3A_71, %logistic3A_55 : vector<8x256xi1>, vector<8x256xf32>
    %reduce_max3A_73 = arith.constant dense<0xFF800000> : vector<256xf32>
    %reduce_max3A_74 = vector.multi_reduction <maximumf>, %select_n3A_72, %reduce_max3A_73 [0] : vector<8x256xf32> to vector<256xf32>
    %broadcast_in_dim3A_75 = vector.shape_cast %reduce_max3A_74 : vector<256xf32> to vector<1x256xf32>
    %eq3A_76 = vector.broadcast %broadcast_in_dim3A_75 : vector<1x256xf32> to vector<8x256xf32>
    %eq3A_77 = arith.cmpf oeq, %select_n3A_72, %eq3A_76 : vector<8x256xf32>
    %jit3A_78 = arith.constant 8 : i32
    %broadcast_in_dim3A_79 = vector.broadcast %jit3A_78 : i32 to vector<8x256xi32>
    %select_n3A_80 = arith.select %eq3A_77, %iota3A_56, %broadcast_in_dim3A_79 : vector<8x256xi1>, vector<8x256xi32>
    %reduce_min3A_81 = arith.constant dense<2147483647> : vector<256xi32>
    %reduce_min3A_82 = vector.multi_reduction <minsi>, %select_n3A_80, %reduce_min3A_81 [0] : vector<8x256xi32> to vector<256xi32>
    %broadcast_in_dim3A_83 = vector.shape_cast %reduce_min3A_82 : vector<256xi32> to vector<1x256xi32>
    %eq3A_84 = vector.broadcast %broadcast_in_dim3A_83 : vector<1x256xi32> to vector<8x256xi32>
    %eq3A_85 = arith.cmpi eq, %iota3A_56, %eq3A_84 : vector<8x256xi32>
    %convert_element_type3A_86 = arith.extui %eq3A_69 : vector<8x256xi1> to vector<8x256xi32>
    %convert_element_type3A_87 = arith.sitofp %convert_element_type3A_86 : vector<8x256xi32> to vector<8x256xf32>
    %convert_element_type3A_88 = arith.extui %eq3A_85 : vector<8x256xi1> to vector<8x256xi32>
    %convert_element_type3A_89 = arith.sitofp %convert_element_type3A_88 : vector<8x256xi32> to vector<8x256xf32>
    %add3A_90 = arith.addf %convert_element_type3A_87, %convert_element_type3A_89 : vector<8x256xf32>
    %get3A_91 = arith.constant 0 : index
    %get3A_92 = arith.constant 0 : index
    %get3A_93 = vector.load %arg3[%get3A_91, %get3A_92] : memref<256x256xf32, #tpu.memory_space<vmem>>, vector<256x256xf32>
    %dot_general3A_94 = arith.constant dense<0.000000e+00> : vector<8x256xf32>
    %dot_general3A_95 = tpu.matmul %add3A_90, %get3A_93, %dot_general3A_94 {dimension_numbers = #tpu.dot_dimension_numbers<[1], [0], [0], [1], [0, 0, 1, 1], [], []>, transpose_lhs_hint = false} : vector<8x256xf32>, vector<256x256xf32>, vector<8x256xf32> -> vector<8x256xf32>
    %get3A_96 = arith.constant 0 : index
    %get3A_97 = arith.constant 0 : index
    %get3A_98 = vector.load %arg11[%get3A_96, %get3A_97] : memref<16x1xi32, #tpu.memory_space<vmem>>, vector<16x1xi32>
    %convert_element_type3A_99 = arith.sitofp %get3A_98 : vector<16x1xi32> to vector<16x1xf32>
    %slice3A = vector.extract_strided_slice %convert_element_type3A_99 {offsets = [0, 0], sizes = [8, 1], strides = [1, 1]} : vector<16x1xf32> to vector<8x1xf32>
    %broadcast_in_dim3A_100 = vector.shape_cast %slice3A : vector<8x1xf32> to vector<8x1xf32>
    %broadcast_in_dim3A_101 = vector.broadcast %broadcast_in_dim3A_100 : vector<8x1xf32> to vector<8x256xf32>
    %add3A_102 = arith.addf %dot_general3A_95, %broadcast_in_dim3A_101 : vector<8x256xf32>
    %jit3A_103 = arith.constant 0.000000e+00 : f32
    %broadcast_in_dim3A_104 = vector.broadcast %jit3A_103 : f32 to vector<8x256xf32>
    %select_n3A_105 = arith.select %eq3A_69, %add3A_102, %broadcast_in_dim3A_104 : vector<8x256xi1>, vector<8x256xf32>
    %reduce_sum3A = arith.constant dense<0.000000e+00> : vector<256xf32>
    %reduce_sum3A_106 = vector.multi_reduction <add>, %select_n3A_105, %reduce_sum3A [0] : vector<8x256xf32> to vector<256xf32>
    %broadcast_in_dim3A_107 = vector.shape_cast %reduce_sum3A_106 : vector<256xf32> to vector<1x256xf32>
    %jit3A_108 = arith.constant 0.000000e+00 : f32
    %broadcast_in_dim3A_109 = vector.broadcast %jit3A_108 : f32 to vector<8x256xf32>
    %select_n3A_110 = arith.select %eq3A_85, %add3A_102, %broadcast_in_dim3A_109 : vector<8x256xi1>, vector<8x256xf32>
    %reduce_sum3A_111 = arith.constant dense<0.000000e+00> : vector<256xf32>
    %reduce_sum3A_112 = vector.multi_reduction <add>, %select_n3A_110, %reduce_sum3A_111 [0] : vector<8x256xf32> to vector<256xf32>
    %broadcast_in_dim3A_113 = vector.shape_cast %reduce_sum3A_112 : vector<256xf32> to vector<1x256xf32>
    %reshape3A = vector.shape_cast %broadcast_in_dim3A_67 : vector<1x256xi32> to vector<1x1x256xi32>
    %swap3A_114 = arith.constant 0 : index
    %swap3A_115 = arith.constant 0 : index
    %swap3A_116 = arith.constant 0 : index
    %swap3A_117 = vector.load %arg4[%swap3A_114, %swap3A_115, %swap3A_116] : memref<1x1x256xi32, #tpu.memory_space<vmem>>, vector<1x1x256xi32>
    tpu.vector_store %arg4[%swap3A_114, %swap3A_115, %swap3A_116], %reshape3A {strides = array<i32>} : memref<1x1x256xi32, #tpu.memory_space<vmem>>, vector<1x1x256xi32>,
    %reshape3A_118 = vector.shape_cast %broadcast_in_dim3A_83 : vector<1x256xi32> to vector<1x1x256xi32>
    %swap3A_119 = arith.constant 0 : index
    %swap3A_120 = arith.constant 0 : index
    %swap3A_121 = arith.constant 0 : index
    %swap3A_122 = vector.load %arg5[%swap3A_119, %swap3A_120, %swap3A_121] : memref<1x1x256xi32, #tpu.memory_space<vmem>>, vector<1x1x256xi32>
    tpu.vector_store %arg5[%swap3A_119, %swap3A_120, %swap3A_121], %reshape3A_118 {strides = array<i32>} : memref<1x1x256xi32, #tpu.memory_space<vmem>>, vector<1x1x256xi32>,
    %convert_element_type3A_123 = arith.fptosi %broadcast_in_dim3A_107 : vector<1x256xf32> to vector<1x256xi32>
    %reshape3A_124 = vector.shape_cast %convert_element_type3A_123 : vector<1x256xi32> to vector<1x1x256xi32>
    %swap3A_125 = arith.constant 0 : index
    %swap3A_126 = arith.constant 0 : index
    %swap3A_127 = arith.constant 0 : index
    %swap3A_128 = vector.load %arg6[%swap3A_125, %swap3A_126, %swap3A_127] : memref<1x1x256xi32, #tpu.memory_space<vmem>>, vector<1x1x256xi32>
    tpu.vector_store %arg6[%swap3A_125, %swap3A_126, %swap3A_127], %reshape3A_124 {strides = array<i32>} : memref<1x1x256xi32, #tpu.memory_space<vmem>>, vector<1x1x256xi32>,
    %convert_element_type3A_129 = arith.fptosi %broadcast_in_dim3A_113 : vector<1x256xf32> to vector<1x256xi32>
    %reshape3A_130 = vector.shape_cast %convert_element_type3A_129 : vector<1x256xi32> to vector<1x1x256xi32>
    %swap3A_131 = arith.constant 0 : index
    %swap3A_132 = arith.constant 0 : index
    %swap3A_133 = arith.constant 0 : index
    %swap3A_134 = vector.load %arg7[%swap3A_131, %swap3A_132, %swap3A_133] : memref<1x1x256xi32, #tpu.memory_space<vmem>>, vector<1x1x256xi32>
    tpu.vector_store %arg7[%swap3A_131, %swap3A_132, %swap3A_133], %reshape3A_130 {strides = array<i32>} : memref<1x1x256xi32, #tpu.memory_space<vmem>>, vector<1x1x256xi32>,
    %get3A_135 = arith.constant 0 : index
    %get3A_136 = arith.constant 0 : index
    %get3A_137 = vector.load %arg11[%get3A_135, %get3A_136] : memref<16x1xi32, #tpu.memory_space<vmem>>, vector<16x1xi32>
    %reduce_sum3A_138 = arith.constant dense<0.000000e+00> : vector<8xf32>
    %reduce_sum3A_139 = vector.multi_reduction <add>, %add3A_90, %reduce_sum3A_138 [1] : vector<8x256xf32> to vector<8xf32>
    %broadcast_in_dim3A_140 = vector.shape_cast %reduce_sum3A_139 : vector<8xf32> to vector<8x1xf32>
    %convert_element_type3A_141 = arith.fptosi %broadcast_in_dim3A_140 : vector<8x1xf32> to vector<8x1xi32>
    %broadcast_in_dim3A_142 = arith.constant 0 : i32
    %broadcast_in_dim3A_143 = vector.broadcast %broadcast_in_dim3A_142 : i32 to vector<8x1xi32>
    %concatenate3A = tpu.concatenate %convert_element_type3A_141, %broadcast_in_dim3A_143 in 0 : vector<8x1xi32>, vector<8x1xi32> -> vector<16x1xi32>
    %add3A_144 = arith.addi %get3A_137, %concatenate3A : vector<16x1xi32>
    %swap3A_145 = arith.constant 0 : index
    %swap3A_146 = arith.constant 0 : index
    %swap3A_147 = vector.load %arg11[%swap3A_145, %swap3A_146] : memref<16x1xi32, #tpu.memory_space<vmem>>, vector<16x1xi32>
    tpu.vector_store %arg11[%swap3A_145, %swap3A_146], %add3A_144 {strides = array<i32>} : memref<16x1xi32, #tpu.memory_space<vmem>>, vector<16x1xi32>,
    %broadcast_in_dim3A_148 = vector.shape_cast %add3A_144 : vector<16x1xi32> to vector<16x1xi32>
    %broadcast_in_dim3A_149 = vector.broadcast %broadcast_in_dim3A_148 : vector<16x1xi32> to vector<16x128xi32>
    %reshape3A_150 = vector.shape_cast %broadcast_in_dim3A_149 : vector<16x128xi32> to vector<1x16x128xi32>
    %swap3A_151 = arith.constant 0 : index
    %swap3A_152 = arith.constant 0 : index
    %swap3A_153 = arith.constant 0 : index
    %swap3A_154 = vector.load %arg10[%swap3A_151, %swap3A_152, %swap3A_153] : memref<1x16x128xi32, #tpu.memory_space<vmem>>, vector<1x16x128xi32>
    tpu.vector_store %arg10[%swap3A_151, %swap3A_152, %swap3A_153], %reshape3A_150 {strides = array<i32>} : memref<1x16x128xi32, #tpu.memory_space<vmem>>, vector<1x16x128xi32>,
    return
  }
  func.func @transform_0(%arg0: i32) -> (i32, i32) {
    %c0_i32 = arith.constant 0 : i32
    %c0_i32_0 = arith.constant 0 : i32
    return %arg0, %c0_i32 : i32, i32
  }
  func.func @transform_1(%arg0: i32) -> (i32, i32) {
    %c0_i32 = arith.constant 0 : i32
    %c0_i32_0 = arith.constant 0 : i32
    %c0_i32_1 = arith.constant 0 : i32
    return %c0_i32, %c0_i32_0 : i32, i32
  }
  func.func @transform_2(%arg0: i32) -> (i32, i32) {
    %c0_i32 = arith.constant 0 : i32
    %c0_i32_0 = arith.constant 0 : i32
    %c0_i32_1 = arith.constant 0 : i32
    return %c0_i32, %c0_i32_0 : i32, i32
  }
  func.func @transform_3(%arg0: i32) -> (i32, i32, i32) {
    %c0_i32 = arith.constant 0 : i32
    %c0_i32_0 = arith.constant 0 : i32
    %c0_i32_1 = arith.constant 0 : i32
    return %arg0, %c0_i32, %c0_i32_0 : i32, i32, i32
  }
  func.func @transform_4(%arg0: i32) -> (i32, i32, i32) {
    %c0_i32 = arith.constant 0 : i32
    %c0_i32_0 = arith.constant 0 : i32
    %c0_i32_1 = arith.constant 0 : i32
    return %arg0, %c0_i32, %c0_i32_0 : i32, i32, i32
  }
  func.func @transform_5(%arg0: i32) -> (i32, i32, i32) {
    %c0_i32 = arith.constant 0 : i32
    %c0_i32_0 = arith.constant 0 : i32
    %c0_i32_1 = arith.constant 0 : i32
    return %arg0, %c0_i32, %c0_i32_0 : i32, i32, i32
  }
  func.func @transform_6(%arg0: i32) -> (i32, i32, i32) {
    %c0_i32 = arith.constant 0 : i32
    %c0_i32_0 = arith.constant 0 : i32
    %c0_i32_1 = arith.constant 0 : i32
    return %arg0, %c0_i32, %c0_i32_0 : i32, i32, i32
  }
  func.func @transform_7(%arg0: i32) -> (i32, i32) {
    %c0_i32 = arith.constant 0 : i32
    %c0_i32_0 = arith.constant 0 : i32
    return %arg0, %c0_i32 : i32, i32
  }
  func.func @transform_8(%arg0: i32) -> (i32, i32) {
    %c0_i32 = arith.constant 0 : i32
    %c0_i32_0 = arith.constant 0 : i32
    return %arg0, %c0_i32 : i32, i32
  }
  func.func @transform_9(%arg0: i32) -> (i32, i32, i32) {
    %c0_i32 = arith.constant 0 : i32
    %c0_i32_0 = arith.constant 0 : i32
    %c0_i32_1 = arith.constant 0 : i32
    %c0_i32_2 = arith.constant 0 : i32
    return %c0_i32, %c0_i32_0, %c0_i32_1 : i32, i32, i32
  }
}

module attributes {stable_mosaic.version = 14 : i64} {
  func.func @_shared_kernel(%arg0: i32, %arg1: memref<256x768xf32, #tpu.memory_space<vmem>>, %arg2: memref<768x768xf32, #tpu.memory_space<vmem>>, %arg3: memref<768x768xf32, #tpu.memory_space<vmem>>, %arg4: memref<768x768xf32, #tpu.memory_space<vmem>>, %arg5: memref<256x768xf32, #tpu.memory_space<vmem>>) attributes {dimension_semantics = [#tpu.dimension_semantics<parallel>], iteration_bounds = array<i64: 8>, scalar_prefetch = 0 : i64, scratch_operands = 0 : i64, tpu.core_type = #tpu.core_type<tc>, window_params = [{transform_indices = @transform_0, window_bounds = array<i64: 256, 768>}, {pipeline_mode = #tpu.pipeline_mode<synchronous>, transform_indices = @transform_1, window_bounds = array<i64: 768, 768>}, {pipeline_mode = #tpu.pipeline_mode<synchronous>, transform_indices = @transform_2, window_bounds = array<i64: 768, 768>}, {pipeline_mode = #tpu.pipeline_mode<synchronous>, transform_indices = @transform_3, window_bounds = array<i64: 768, 768>}, {transform_indices = @transform_4, window_bounds = array<i64: 256, 768>}]} {
    %get3A = arith.constant 0 : index
    %get3A_0 = arith.constant 0 : index
    %get3A_1 = vector.load %arg1[%get3A, %get3A_0] : memref<256x768xf32, #tpu.memory_space<vmem>>, vector<256x768xf32>
    %get3A_2 = arith.constant 0 : index
    %get3A_3 = arith.constant 0 : index
    %get3A_4 = vector.load %arg2[%get3A_2, %get3A_3] : memref<768x768xf32, #tpu.memory_space<vmem>>, vector<768x768xf32>
    %dot_general3A = arith.constant dense<0.000000e+00> : vector<256x768xf32>
    %dot_general3A_5 = tpu.matmul %get3A_1, %get3A_4, %dot_general3A {dimension_numbers = #tpu.dot_dimension_numbers<[1], [1], [0], [0], [0, 0, 1, 0], [], []>, transpose_lhs_hint = false} : vector<256x768xf32>, vector<768x768xf32>, vector<256x768xf32> -> vector<256x768xf32>
    %get3A_6 = arith.constant 0 : index
    %get3A_7 = arith.constant 0 : index
    %get3A_8 = vector.load %arg3[%get3A_6, %get3A_7] : memref<768x768xf32, #tpu.memory_space<vmem>>, vector<768x768xf32>
    %dot_general3A_9 = arith.constant dense<0.000000e+00> : vector<256x768xf32>
    %dot_general3A_10 = tpu.matmul %get3A_1, %get3A_8, %dot_general3A_9 {dimension_numbers = #tpu.dot_dimension_numbers<[1], [1], [0], [0], [0, 0, 1, 0], [], []>, transpose_lhs_hint = false} : vector<256x768xf32>, vector<768x768xf32>, vector<256x768xf32> -> vector<256x768xf32>
    %logistic3A = arith.negf %dot_general3A_5 : vector<256x768xf32>
    %logistic3A_11 = math.exp %logistic3A : vector<256x768xf32>
    %logistic3A_12 = arith.constant 1.000000e+00 : f32
    %logistic3A_13 = vector.broadcast %logistic3A_12 : f32 to vector<256x768xf32>
    %logistic3A_14 = arith.addf %logistic3A_13, %logistic3A_11 : vector<256x768xf32>
    %logistic3A_15 = arith.divf %logistic3A_13, %logistic3A_14 : vector<256x768xf32>
    %mul3A = arith.mulf %dot_general3A_5, %logistic3A_15 : vector<256x768xf32>
    %mul3A_16 = arith.mulf %mul3A, %dot_general3A_10 : vector<256x768xf32>
    %get3A_17 = arith.constant 0 : index
    %get3A_18 = arith.constant 0 : index
    %get3A_19 = vector.load %arg4[%get3A_17, %get3A_18] : memref<768x768xf32, #tpu.memory_space<vmem>>, vector<768x768xf32>
    %dot_general3A_20 = arith.constant dense<0.000000e+00> : vector<256x768xf32>
    %dot_general3A_21 = tpu.matmul %mul3A_16, %get3A_19, %dot_general3A_20 {dimension_numbers = #tpu.dot_dimension_numbers<[1], [1], [0], [0], [0, 0, 1, 0], [], []>, transpose_lhs_hint = false} : vector<256x768xf32>, vector<768x768xf32>, vector<256x768xf32> -> vector<256x768xf32>
    %swap3A = arith.constant 0 : index
    %swap3A_22 = arith.constant 0 : index
    %swap3A_23 = vector.load %arg5[%swap3A, %swap3A_22] : memref<256x768xf32, #tpu.memory_space<vmem>>, vector<256x768xf32>
    tpu.vector_store %arg5[%swap3A, %swap3A_22], %dot_general3A_21 {strides = array<i32>} : memref<256x768xf32, #tpu.memory_space<vmem>>, vector<256x768xf32>,
    return
  }
  func.func @transform_0(%arg0: i32) -> (i32, i32) {
    %c0_i32 = arith.constant 0 : i32
    %c0_i32_0 = arith.constant 0 : i32
    return %arg0, %c0_i32 : i32, i32
  }
  func.func @transform_1(%arg0: i32) -> (i32, i32) {
    %c0_i32 = arith.constant 0 : i32
    %c0_i32_0 = arith.constant 0 : i32
    %c0_i32_1 = arith.constant 0 : i32
    return %c0_i32, %c0_i32_0 : i32, i32
  }
  func.func @transform_2(%arg0: i32) -> (i32, i32) {
    %c0_i32 = arith.constant 0 : i32
    %c0_i32_0 = arith.constant 0 : i32
    %c0_i32_1 = arith.constant 0 : i32
    return %c0_i32, %c0_i32_0 : i32, i32
  }
  func.func @transform_3(%arg0: i32) -> (i32, i32) {
    %c0_i32 = arith.constant 0 : i32
    %c0_i32_0 = arith.constant 0 : i32
    %c0_i32_1 = arith.constant 0 : i32
    return %c0_i32, %c0_i32_0 : i32, i32
  }
  func.func @transform_4(%arg0: i32) -> (i32, i32) {
    %c0_i32 = arith.constant 0 : i32
    %c0_i32_0 = arith.constant 0 : i32
    return %arg0, %c0_i32 : i32, i32
  }
}

module attributes {stable_mosaic.version = 14 : i64} {
  func.func @_group_ffn_kernel(%arg0: i32, %arg1: memref<128xi32, #tpu.memory_space<smem>>, %arg2: memref<512x768xf32, #tpu.memory_space<vmem>>, %arg3: memref<1x768x768xf32, #tpu.memory_space<vmem>>, %arg4: memref<1x768x768xf32, #tpu.memory_space<vmem>>, %arg5: memref<1x768x768xf32, #tpu.memory_space<vmem>>, %arg6: memref<512x768xf32, #tpu.memory_space<vmem>>) attributes {dimension_semantics = [#tpu.dimension_semantics<parallel>], iteration_bounds = array<i64: 16>, scalar_prefetch = 1 : i64, scratch_operands = 0 : i64, tpu.core_type = #tpu.core_type<tc>, window_params = [{transform_indices = @transform_0, window_bounds = array<i64: 512, 768>}, {transform_indices = @transform_1, window_bounds = array<i64: 1, 768, 768>}, {transform_indices = @transform_2, window_bounds = array<i64: 1, 768, 768>}, {transform_indices = @transform_3, window_bounds = array<i64: 1, 768, 768>}, {transform_indices = @transform_4, window_bounds = array<i64: 512, 768>}]} {
    %add3A = arith.constant 64 : i32
    %add3A_0 = arith.addi %add3A, %arg0 : i32
    %get3A = arith.index_cast %add3A_0 : i32 to index
    %get3A_1 = memref.load %arg1[%get3A] : memref<128xi32, #tpu.memory_space<smem>>
    %eq3A = arith.constant 1 : i32
    %eq3A_2 = arith.cmpi eq, %get3A_1, %eq3A : i32
    %convert_element_type3A = arith.extui %eq3A_2 : i1 to i32
    %cond3A = arith.constant 0 : i32
    %cond3A_3 = arith.cmpi ne, %convert_element_type3A, %cond3A : i32
    scf.if %cond3A_3 {
      %get3A_4 = arith.constant 0 : index
      %get3A_5 = arith.constant 0 : index
      %get3A_6 = vector.load %arg2[%get3A_4, %get3A_5] : memref<512x768xf32, #tpu.memory_space<vmem>>, vector<512x768xf32>
      %get3A_7 = arith.constant 0 : index
      %get3A_8 = arith.constant 0 : index
      %get3A_9 = arith.constant 0 : index
      %get3A_10 = vector.load %arg3[%get3A_7, %get3A_8, %get3A_9] : memref<1x768x768xf32, #tpu.memory_space<vmem>>, vector<1x768x768xf32>
      %get3A_11 = vector.shape_cast %get3A_10 : vector<1x768x768xf32> to vector<768x768xf32>
      %dot_general3A = arith.constant dense<0.000000e+00> : vector<512x768xf32>
      %dot_general3A_12 = tpu.matmul %get3A_6, %get3A_11, %dot_general3A {dimension_numbers = #tpu.dot_dimension_numbers<[1], [1], [0], [0], [0, 0, 1, 0], [], []>, transpose_lhs_hint = false} : vector<512x768xf32>, vector<768x768xf32>, vector<512x768xf32> -> vector<512x768xf32>
      %get3A_13 = arith.constant 0 : index
      %get3A_14 = arith.constant 0 : index
      %get3A_15 = arith.constant 0 : index
      %get3A_16 = vector.load %arg4[%get3A_13, %get3A_14, %get3A_15] : memref<1x768x768xf32, #tpu.memory_space<vmem>>, vector<1x768x768xf32>
      %get3A_17 = vector.shape_cast %get3A_16 : vector<1x768x768xf32> to vector<768x768xf32>
      %dot_general3A_18 = arith.constant dense<0.000000e+00> : vector<512x768xf32>
      %dot_general3A_19 = tpu.matmul %get3A_6, %get3A_17, %dot_general3A_18 {dimension_numbers = #tpu.dot_dimension_numbers<[1], [1], [0], [0], [0, 0, 1, 0], [], []>, transpose_lhs_hint = false} : vector<512x768xf32>, vector<768x768xf32>, vector<512x768xf32> -> vector<512x768xf32>
      %logistic3A = arith.negf %dot_general3A_12 : vector<512x768xf32>
      %logistic3A_20 = math.exp %logistic3A : vector<512x768xf32>
      %logistic3A_21 = arith.constant 1.000000e+00 : f32
      %logistic3A_22 = vector.broadcast %logistic3A_21 : f32 to vector<512x768xf32>
      %logistic3A_23 = arith.addf %logistic3A_22, %logistic3A_20 : vector<512x768xf32>
      %logistic3A_24 = arith.divf %logistic3A_22, %logistic3A_23 : vector<512x768xf32>
      %mul3A = arith.mulf %dot_general3A_12, %logistic3A_24 : vector<512x768xf32>
      %mul3A_25 = arith.mulf %mul3A, %dot_general3A_19 : vector<512x768xf32>
      %get3A_26 = arith.constant 0 : index
      %get3A_27 = arith.constant 0 : index
      %get3A_28 = arith.constant 0 : index
      %get3A_29 = vector.load %arg5[%get3A_26, %get3A_27, %get3A_28] : memref<1x768x768xf32, #tpu.memory_space<vmem>>, vector<1x768x768xf32>
      %get3A_30 = vector.shape_cast %get3A_29 : vector<1x768x768xf32> to vector<768x768xf32>
      %dot_general3A_31 = arith.constant dense<0.000000e+00> : vector<512x768xf32>
      %dot_general3A_32 = tpu.matmul %mul3A_25, %get3A_30, %dot_general3A_31 {dimension_numbers = #tpu.dot_dimension_numbers<[1], [1], [0], [0], [0, 0, 1, 0], [], []>, transpose_lhs_hint = false} : vector<512x768xf32>, vector<768x768xf32>, vector<512x768xf32> -> vector<512x768xf32>
      %swap3A = arith.constant 0 : index
      %swap3A_33 = arith.constant 0 : index
      %swap3A_34 = vector.load %arg6[%swap3A, %swap3A_33] : memref<512x768xf32, #tpu.memory_space<vmem>>, vector<512x768xf32>
      tpu.vector_store %arg6[%swap3A, %swap3A_33], %dot_general3A_32 {strides = array<i32>} : memref<512x768xf32, #tpu.memory_space<vmem>>, vector<512x768xf32>,
    } else {
    }
    return
  }
  func.func @transform_0(%arg0: i32, %arg1: memref<128xi32, #tpu.memory_space<smem>>) -> (i32, i32) {
    %c0_i32 = arith.constant 0 : i32
    %c0_i32_0 = arith.constant 0 : i32
    return %arg0, %c0_i32 : i32, i32
  }
  func.func @transform_1(%arg0: i32, %arg1: memref<128xi32, #tpu.memory_space<smem>>) -> (i32, i32, i32) {
    %get3A = arith.index_cast %arg0 : i32 to index
    %get3A_0 = memref.load %arg1[%get3A] : memref<128xi32, #tpu.memory_space<smem>>
    %c0_i32 = arith.constant 0 : i32
    %c0_i32_1 = arith.constant 0 : i32
    %c0_i32_2 = arith.constant 0 : i32
    return %get3A_0, %c0_i32, %c0_i32_1 : i32, i32, i32
  }
  func.func @transform_2(%arg0: i32, %arg1: memref<128xi32, #tpu.memory_space<smem>>) -> (i32, i32, i32) {
    %get3A = arith.index_cast %arg0 : i32 to index
    %get3A_0 = memref.load %arg1[%get3A] : memref<128xi32, #tpu.memory_space<smem>>
    %c0_i32 = arith.constant 0 : i32
    %c0_i32_1 = arith.constant 0 : i32
    %c0_i32_2 = arith.constant 0 : i32
    return %get3A_0, %c0_i32, %c0_i32_1 : i32, i32, i32
  }
  func.func @transform_3(%arg0: i32, %arg1: memref<128xi32, #tpu.memory_space<smem>>) -> (i32, i32, i32) {
    %get3A = arith.index_cast %arg0 : i32 to index
    %get3A_0 = memref.load %arg1[%get3A] : memref<128xi32, #tpu.memory_space<smem>>
    %c0_i32 = arith.constant 0 : i32
    %c0_i32_1 = arith.constant 0 : i32
    %c0_i32_2 = arith.constant 0 : i32
    return %get3A_0, %c0_i32, %c0_i32_1 : i32, i32, i32
  }
  func.func @transform_4(%arg0: i32, %arg1: memref<128xi32, #tpu.memory_space<smem>>) -> (i32, i32) {
    %c0_i32 = arith.constant 0 : i32
    %c0_i32_0 = arith.constant 0 : i32
    return %arg0, %c0_i32 : i32, i32
  }
}

module attributes {stable_mosaic.version = 14 : i64} {
  func.func @_combine_kernel(%arg0: i32, %arg1: memref<256x768xf32, #tpu.memory_space<vmem>>, %arg2: memref<256x768xf32, #tpu.memory_space<vmem>>, %arg3: memref<256x768xf32, #tpu.memory_space<vmem>>, %arg4: memref<256x128xf32, #tpu.memory_space<vmem>>, %arg5: memref<256x128xf32, #tpu.memory_space<vmem>>, %arg6: memref<256x768xf32, #tpu.memory_space<vmem>>) attributes {dimension_semantics = [#tpu.dimension_semantics<parallel>], iteration_bounds = array<i64: 8>, scalar_prefetch = 0 : i64, scratch_operands = 0 : i64, tpu.core_type = #tpu.core_type<tc>, window_params = [{transform_indices = @transform_0, window_bounds = array<i64: 256, 768>}, {transform_indices = @transform_1, window_bounds = array<i64: 256, 768>}, {transform_indices = @transform_2, window_bounds = array<i64: 256, 768>}, {transform_indices = @transform_3, window_bounds = array<i64: 256, 128>}, {transform_indices = @transform_4, window_bounds = array<i64: 256, 128>}, {transform_indices = @transform_5, window_bounds = array<i64: 256, 768>}]} {
    %get3A = arith.constant 0 : index
    %get3A_0 = arith.constant 0 : index
    %get3A_1 = vector.load %arg4[%get3A, %get3A_0] : memref<256x128xf32, #tpu.memory_space<vmem>>, vector<256x1xf32>
    %get3A_2 = arith.constant 0 : index
    %get3A_3 = arith.constant 0 : index
    %get3A_4 = vector.load %arg5[%get3A_2, %get3A_3] : memref<256x128xf32, #tpu.memory_space<vmem>>, vector<256x1xf32>
    %get3A_5 = arith.constant 0 : index
    %get3A_6 = arith.constant 0 : index
    %get3A_7 = vector.load %arg1[%get3A_5, %get3A_6] : memref<256x768xf32, #tpu.memory_space<vmem>>, vector<256x768xf32>
    %mul3A = vector.broadcast %get3A_1 : vector<256x1xf32> to vector<256x768xf32>
    %mul3A_8 = arith.mulf %mul3A, %get3A_7 : vector<256x768xf32>
    %get3A_9 = arith.constant 0 : index
    %get3A_10 = arith.constant 0 : index
    %get3A_11 = vector.load %arg2[%get3A_9, %get3A_10] : memref<256x768xf32, #tpu.memory_space<vmem>>, vector<256x768xf32>
    %mul3A_12 = vector.broadcast %get3A_4 : vector<256x1xf32> to vector<256x768xf32>
    %mul3A_13 = arith.mulf %mul3A_12, %get3A_11 : vector<256x768xf32>
    %add3A = arith.addf %mul3A_8, %mul3A_13 : vector<256x768xf32>
    %get3A_14 = arith.constant 0 : index
    %get3A_15 = arith.constant 0 : index
    %get3A_16 = vector.load %arg3[%get3A_14, %get3A_15] : memref<256x768xf32, #tpu.memory_space<vmem>>, vector<256x768xf32>
    %add3A_17 = arith.addf %add3A, %get3A_16 : vector<256x768xf32>
    %swap3A = arith.constant 0 : index
    %swap3A_18 = arith.constant 0 : index
    %swap3A_19 = vector.load %arg6[%swap3A, %swap3A_18] : memref<256x768xf32, #tpu.memory_space<vmem>>, vector<256x768xf32>
    tpu.vector_store %arg6[%swap3A, %swap3A_18], %add3A_17 {strides = array<i32>} : memref<256x768xf32, #tpu.memory_space<vmem>>, vector<256x768xf32>,
    return
  }
  func.func @transform_0(%arg0: i32) -> (i32, i32) {
    %c0_i32 = arith.constant 0 : i32
    %c0_i32_0 = arith.constant 0 : i32
    return %arg0, %c0_i32 : i32, i32
  }
  func.func @transform_1(%arg0: i32) -> (i32, i32) {
    %c0_i32 = arith.constant 0 : i32
    %c0_i32_0 = arith.constant 0 : i32
    return %arg0, %c0_i32 : i32, i32
  }
  func.func @transform_2(%arg0: i32) -> (i32, i32) {
    %c0_i32 = arith.constant 0 : i32
    %c0_i32_0 = arith.constant 0 : i32
    return %arg0, %c0_i32 : i32, i32
  }
  func.func @transform_3(%arg0: i32) -> (i32, i32) {
    %c0_i32 = arith.constant 0 : i32
    %c0_i32_0 = arith.constant 0 : i32
    return %arg0, %c0_i32 : i32, i32
  }
  func.func @transform_4(%arg0: i32) -> (i32, i32) {
    %c0_i32 = arith.constant 0 : i32
    %c0_i32_0 = arith.constant 0 : i32
    return %arg0, %c0_i32 : i32, i32
  }
  func.func @transform_5(%arg0: i32) -> (i32, i32) {
    %c0_i32 = arith.constant 0 : i32
    %c0_i32_0 = arith.constant 0 : i32
    return %arg0, %c0_i32 : i32, i32
  }
}

</mosaic_0001>

<sc_bundles>
// kernel: kernel.11.cloned.1.call-start
scs
__scs_entry_jumppad:
0x0: {  	(pc) =	sbr.rel $0x88, $3  }
0x1: {  	(tag) =	ssettag $0x0;
	lr =	simm.s32 $0x1  }
0x2: {  	[smem:$0x3F99] =	sst lr;
	_ =	strace $0xD0000000  }
0x3: {  	_ = 	snop  }
0x4: {  	_ = 	snop  }
0x5: {  	_ = 	snop  }
0x6: {  	_ = 	snop  }
0x7: {  	_ = 	snop  }
__scs_overlays_trampoline_lowered:
0x8: {  	[smem:$0x3FA8] =	sst s0  }
0x9: {  	[smem:$0x3FA9] =	sst s1  }
0xa: {  	[smem:$0x3FAA] =	sst s2  }
0xb: {  	[smem:$0x3FAB] =	sst s3  }
0xc: {  	[smem:$0x3FAC] =	sst s4  }
0xd: {  	[smem:$0x3FAD] =	sst s5  }
0xe: {  	[smem:$0x3FAE] =	sst s6  }
0xf: {  	[smem:$0x3FAF] =	sst s7  }
0x10: {  	[smem:$0x3FB0] =	sst s8  }
0x11: {  	[smem:$0x3FB1] =	sst s9;
	s0 =	simm.s32 @!p0 $0x0  }
0x12: {  	s1 =	sld [smem:$0x3F97];
	s0 =	simm.s32 @p0 $0x1  }
0x13: {  	[smem:$0x3FB2] =	sst s0;
	s0 =	simm.s32 @!p1 $0x0  }
0x14: {  	s2 =	sld [smem:$0x3F96];
	s0 =	simm.s32 @p1 $0x1  }
0x15: {  	[smem:$0x3FB3] =	sst s0;
	s0 =	simm.s32 @!p2 $0x0  }
0x16: {  	s3 =	sld [smem:$0x3FDB];
	s0 =	simm.s32 @p2 $0x1  }
0x17: {  	s4 =	simm.s32 $0x1BF5;
	[smem:$0x3FB5] =	sst s0  }
0x18: {  	s0 =	sld [smem:$0x3F98];
	_ =	swait.ge [sflag:s4], $0x0  }
0x19: {  	s7 =	sld [smem:$0x3F99]  }
0x1a: {  	s8 =	sadd.s32 $0xFFFFE003, lr  }
0x1b: {  	s9 =	sadd.s32 $0xFFFFFEF7, lr;
	s5 =	simm.s32 $0xFFFFFFFF;
	p2 =	slt.u32 s8, $0xFFFFF086  }
0x1c: {  	p1 =	slt.u32 s9, $0xF7A;
	s5 =	simm.s32 @!p2 $0x0  }
0x1d: {  	s5 =	simm.s32 @p1 $0x1;
	p0 =	seq.s32 s7, s2  }
0x1e: {  	s7 =	smul.u32 @!p0 $0xF7A, s2;
	p2 =	seq.s32 @!p0 s5, $0x0  }
0x1f: {  	s9 =	smul.u32 $0xF7A, s1;
	s8 =	simm.s32 @!p0 $0x1BF5;
	p2 =	por !p2, p0  }
0x20: {  	[sflag:s8] =	ssyncset.s32 @!p0 $0xFFFFF086;
	s6 =	sadd.s32 @!p0 s3, s7;
	s7 =	simm.s32 @!p0 $0x108  }
0x21: {  	s3 =	sadd.s32 s3, s9;
	s6 =	sadd.s32 @!p0 $0x88, s6;
	s7 =	simm.s32 @p2 $0x1082  }
0x22: {  	[simem:s7], [sflag:s8] =	dma.local @!p0 [hbm:s6], $0xF7A  }
0x23: {  	s9 =	sor.u32 $0xD0000000, s2;
	s6 =	simm.s32 $0x108;
	_ =	swait.ge @!p0 [sflag:s8], $0x0  }
0x24: {  	s3 =	sadd.s32 $0x88, s3;
	s6 =	simm.s32 @!p1 $0x1082;
	[sflag:s4] =	ssyncset.s32 $0xFFFFF086  }
0x25: {  	[simem:s6], [sflag:s4] =	dma.local [hbm:s3], $0xF7A  }
0x26: {  	[smem:$0x3F99] =	sst s1;
	(tag) =	ssettag s2;
	_ =	strace s9  }
0x27: {  	s1 =	sld [smem:$0x3FA9]  }
0x28: {  	s2 =	sld [smem:$0x3FAA]  }
0x29: {  	s4 =	sld [smem:$0x3FAC]  }
0x2a: {  	p0 =	seq.s32 s5, $0x0;
	s5 =	sld [smem:$0x3FAD]  }
0x2b: {  	s6 =	sld [smem:$0x3FAE]  }
0x2c: {  	s7 =	sld [smem:$0x3FAF]  }
0x2d: {  	s3 =	simm.s32 $0x108;
	s8 =	sld [smem:$0x3FB0]  }
0x2e: {  	s3 =	simm.s32 @!p0 $0x1082;
	s9 =	sld [smem:$0x3FB1]  }
0x2f: {  	lr =	sadd.s32 s0, s3;
	s0 =	sld [smem:$0x3FA8]  }
0x30: {  	s3 =	sld [smem:$0x3FAB]  }
0x31: {  	[smem:$0x3FB4] =	sst s10  }
0x32: {  	s10 =	sld [smem:$0x3FB2];
	_ =	sdelay $0x3  }
0x33: {  	p0 =	seq.s32 s10, $0x1;
	s10 =	sld [smem:$0x3FB4];
	_ =	sdelay $0x3  }
0x34: {  	[smem:$0x3FB4] =	sst s10  }
0x35: {  	s10 =	sld [smem:$0x3FB3];
	_ =	sdelay $0x3  }
0x36: {  	p1 =	seq.s32 s10, $0x1;
	s10 =	sld [smem:$0x3FB4];
	_ =	sdelay $0x3  }
0x37: {  	[smem:$0x3FB4] =	sst s10  }
0x38: {  	s10 =	sld [smem:$0x3FB5]  }
0x39: {  	_ = 	snop;
	(pc) =	sbr.ind lr, $3  }
0x3a: {  	_ = 	snop  }
0x3b: {  	_ = 	snop  }
0x3c: {  	p2 =	seq.s32 s10, $0x1;
	s10 =	sld [smem:$0x3FB4]  }
0x3d: {  	_ =	shalt  }
0x3e: {  	_ =	shalt  }
0x3f: {  	_ =	shalt  }
0x40: {  	_ =	shalt  }
0x41: {  	_ =	shalt  }
0x42: {  	_ =	shalt  }
0x43: {  	_ =	shalt  }
0x44: {  	_ =	shalt  }
0x45: {  	_ =	shalt  }
0x46: {  	_ =	shalt  }
0x47: {  	_ =	shalt  }
0x48: {  	_ =	shalt  }
0x49: {  	_ =	shalt  }
0x4a: {  	_ =	shalt  }
0x4b: {  	_ =	shalt  }
0x4c: {  	_ =	shalt  }
0x4d: {  	_ =	shalt  }
0x4e: {  	_ =	shalt  }
0x4f: {  	_ =	shalt  }
0x50: {  	_ =	shalt  }
0x51: {  	_ =	shalt  }
0x52: {  	_ =	shalt  }
0x53: {  	_ =	shalt  }
0x54: {  	_ =	shalt  }
0x55: {  	_ =	shalt  }
0x56: {  	_ =	shalt  }
0x57: {  	_ =	shalt  }
0x58: {  	_ =	shalt  }
0x59: {  	_ =	shalt  }
0x5a: {  	_ =	shalt  }
0x5b: {  	_ =	shalt  }
0x5c: {  	_ =	shalt  }
0x5d: {  	_ =	shalt  }
0x5e: {  	_ =	shalt  }
0x5f: {  	_ =	shalt  }
0x60: {  	_ =	shalt  }
0x61: {  	_ =	shalt  }
0x62: {  	_ =	shalt  }
0x63: {  	_ =	shalt  }
0x64: {  	_ =	shalt  }
0x65: {  	_ =	shalt  }
0x66: {  	_ =	shalt  }
0x67: {  	_ =	shalt  }
0x68: {  	_ =	shalt  }
0x69: {  	_ =	shalt  }
0x6a: {  	_ =	shalt  }
0x6b: {  	_ =	shalt  }
0x6c: {  	_ =	shalt  }
0x6d: {  	_ =	shalt  }
0x6e: {  	_ =	shalt  }
0x6f: {  	_ =	shalt  }
0x70: {  	_ =	shalt  }
0x71: {  	_ =	shalt  }
0x72: {  	_ =	shalt  }
0x73: {  	_ =	shalt  }
0x74: {  	_ =	shalt  }
0x75: {  	_ =	shalt  }
0x76: {  	_ =	shalt  }
0x77: {  	_ =	shalt  }
0x78: {  	_ =	shalt  }
0x79: {  	_ =	shalt  }
0x7a: {  	_ =	shalt  }
0x7b: {  	_ =	shalt  }
0x7c: {  	_ =	shalt  }
0x7d: {  	_ =	shalt  }
0x7e: {  	_ =	shalt  }
0x7f: {  	_ =	shalt  }
0x80: {  	_ =	shalt  }
0x81: {  	_ =	shalt  }
0x82: {  	_ =	shalt  }
0x83: {  	_ =	shalt  }
0x84: {  	_ =	shalt  }
0x85: {  	_ =	shalt  }
0x86: {  	_ =	shalt  }
0x87: {  	_ =	shalt  }
.Lfunc_end0:
.L_simem_size_0:
called_computation.1_lowered:
.L_overlay_start_0:
0x88: {  	s2 =	sld [smem:$0x3FD9]  }
0x89: {  	s3 =	sld [smem:$0x3FFE];
	_ =	sdelay $0x1  }
0x8a: {  	s1 =	srdreg.scid  }
0x8b: {  	s0 =	sand.u32 $0x1, s1  }
0x8c: {  	s17 =	sshll.u32 s0, $0xA;
	s2 =	sadd.s32 s3, s2  }
0x8d: {  	s2 =	sadd.s32 s2, s17  }
0x8e: {  	[smem:$0x3FC0] =	sst s2  }
0x8f: {  	_ = 	snop  }
0x90: {  	s2 =	sld [smem:$0x3FD0];
	(tm) =	ssettm $0x1  }
0x91: {  	s18 =	sld [smem:$0x3FFB];
	_ =	sdelay $0x3  }
0x92: {  	_ =	strace s18  }
0x93: {  	s3 =	sld [smem:$0x3FFC];
	_ =	sdelay $0x3  }
0x94: {  	_ =	strace s3  }
0x95: {  	s3 =	sld [smem:$0x3FFD];
	_ =	sdelay $0x3  }
0x96: {  	_ =	strace s3  }
0x97: {  	_ =	strace $0x8FFFFFFF  }
0x98: {  	s19 =	sld [smem:$0x3FDB];
	_ =	sdelay $0x1  }
0x99: {  	s4 =	simm.s32 $_scs_section_size  }
0x9a: {  	s5 =	simm.s32 $_size__tile_overlayer_lowered;
	s6 =	simm.s32 $_tile_overlayer_lowered  }
0x9b: {  	s22 =	simm.s32 $0x1BFF;
	s21 =	sshll.u32 s6, $0x1;
	s3 =	sadd.s32 s4, s19  }
0x9c: {  	s7 =	simm.s32 $0x0;
	s20 =	sshll.u32 s5, $0x1;
	s5 =	sadd.s32 s21, s3  }
0x9d: {  	[timem:s7], [sflag:s22] =	dma.local [hbm:s5], s20  }
0x9e: {  	_ =	swait.ge [sflag:s22], s20  }
0x9f: {  	s4 =	ssub.s32 $0x0, s20;
	[sflag:s22] =	ssyncset.done $0x0  }
0xa0: {  	[sflag:s22] =	ssyncadd.s32 s4;
	_ =	sdelay $0x1  }
0xa1: {  	s23 =	simm.s32 $0x1B8B  }
0xa2: {  	_ =	swait.ge [sflag:s23], $0x1  }
0xa3: {  	[sflag:s23] =	ssyncset.done $0x0  }
0xa4: {  	s25 =	simm.s32 $0x1B8E;
	s24 =	sld [smem:$0x3FFE];
	[sflag:s23] =	ssyncadd.s32 $0xFFFFFFFF  }
0xa5: {  	s26 =	simm.s32 $execute0_lowered;
	[smem:$0x3FD2] =	sst s25  }
0xa6: {  	s5 =	sshll.u32 s26, $0x1;
	_ =	strace $0x80000049;
	[dreg:$0x1] =	wrdreg $0xFFFFFFFF  }
0xa7: {  	s28 =	simm.s32 $_size_execute0_lowered;
	s3 =	sadd.s32 s3, s5;
	[dreg:$0x0] =	wrdreg $0x0  }
0xa8: {  	s5 =	sshll.u32 s28, $0x1;
	[dreg:$0x2] =	wrdreg s3  }
0xa9: {  	[dreg:$0x3] =	wrdreg s5  }
0xaa: {  	[dreg:$0x4] =	wrdreg $0xC0  }
0xab: {  	_ =	task [dreg:s7], $0x5FFFF  }
0xac: {  	[dreg:$0x1] =	wrdreg $0xFFFFFFFF  }
0xad: {  	[dreg:$0x0] =	wrdreg $0x60  }
0xae: {  	[dreg:$0x2] =	wrdreg s24  }
0xaf: {  	[dreg:$0x3] =	wrdreg s2  }
0xb0: {  	[dreg:$0x4] =	wrdreg $0x9  }
0xb1: {  	_ =	task.clear_ibuf [dreg:s7], $0x5FFFF;
	_ =	strace $0x90000049  }
0xb2: {  	s29 =	simm.s32 $0x9;
	_ =	strace $0x8000004B  }
0xb3: {  	_ =	swait.ge [sflag:s29], $0x1  }
0xb4: {  	[sflag:s29] =	ssyncadd.s32 $0xFFFFFFFF  }
0xb5: {  	_ =	strace $0x9000004B  }
0xb6: {  	_ =	sfence  }
0xb7: {  	s30 =	sld [smem:$0x0];
	_ =	sdelay $0x2  }
0xb8: {  	s31 =	sshll.u32 s1, $0xD;
	s1 =	sshrl.u32 s1, $0x2  }
0xb9: {  	s3 =	sand.u32 $0x4000, s31;
	s1 =	sadd.s32 s1, s30  }
0xba: {  	s0 =	sor.u32 s3, s0;
	s1 =	sshll.u32 s1, $0x11  }
0xbb: {  	s0 =	sor.u32 s1, s0  }
0xbc: {  	s0 =	sadd.s32 $0x8F2B, s0  }
0xbd: {  	[sflag:s0] =	ssyncadd.remote.s32 $0x1  }
0xbe: {  	_ =	sfence.sel $0xFFFF  }
0xbf: {  	[dreg:$0x0] =	wrdreg $0xFFFFFFFF;
	(pc) =	sbr.abs _section_cstart, $3  }
0xc0: {  	[dreg:$0x1] =	wrdreg $0xFFFFFFFF  }
0xc1: {  	_ =	task.clear_ibuf [dreg:s7], $0x2FFFF;
	_ =	strace $0x9FFFFFFF  }
0xc2: {  	(tm) =	ssettm $0x7FFFFFFF  }
0xc3: {  	_ =	shalt  }
tec
execute0_lowered:
.L_overlay_start_1:
0x0: {  	(tag) =	ssettag $0x1  }
0x1: {  	s2 =	srdreg.scid;
	s1 =	rddreg [dreg:$0x0]  }
0x2: {  	s3 =	rddreg [dreg:$0x1];
	s4 =	sand.u32 $0x1, s2;
	s2 =	simm.s32 $0x0  }
0x3: {  	s23 =	simm.s32 $0x80;
	[smem:$0x7FF] =	sst s2  }
0x4: {  	s24 =	simm.s32 $0x900;
	_ =	strace $0x8000004A;
	[dreg:$0x7] =	wrdreg s23  }
0x5: {  	s25 =	simm.s32 $0x1100;
	[dreg:$0x8] =	wrdreg s24  }
0x6: {  	s0 =	stileid.u32;
	s26 =	simm.s32 $0x1900;
	[dreg:$0x9] =	wrdreg s25  }
0x7: {  	s5 =	sshll.u32 s0, $0x4;
	s0 =	simm.s32 $0x2100;
	[dreg:$0xa] =	wrdreg s26  }
0x8: {  	s8 =	simm.s32 $0x4100;
	[dreg:$0xb] =	wrdreg s0  }
0x9: {  	s9 =	simm.s32 $0x4900;
	[dreg:$0xf] =	wrdreg s8  }
0xa: {  	s10 =	simm.s32 $0x5100;
	[dreg:$0x10] =	wrdreg s9  }
0xb: {  	s11 =	simm.s32 $0x5900;
	[dreg:$0x11] =	wrdreg s10  }
0xc: {  	s12 =	simm.s32 $0x6100;
	s13 =	simm.s32 $0x6900;
	[dreg:$0x12] =	wrdreg s11  }
0xd: {  	s14 =	simm.s32 $0x7100;
	s15 =	simm.s32 $0x7900;
	[dreg:$0x13] =	wrdreg s12  }
0xe: {  	s16 =	simm.s32 $0x8100;
	s17 =	simm.s32 $0x8900;
	[dreg:$0x14] =	wrdreg s13  }
0xf: {  	s18 =	simm.s32 $0x9100;
	s20 =	simm.s32 $0x9900;
	[dreg:$0x15] =	wrdreg s14  }
0x10: {  	s28 =	simm.s32 $0x15900;
	s29 =	simm.s32 $0x16100;
	[dreg:$0x16] =	wrdreg s15  }
0x11: {  	s30 =	simm.s32 $0x16900;
	s31 =	simm.s32 $0x17100;
	[dreg:$0x17] =	wrdreg s16  }
0x12: {  	s6 =	sshll.u32 s4, $0x3;
	s4 =	ssub.s32 $0x2, s4;
	[dreg:$0x18] =	wrdreg s17  }
0x13: {  	s5 =	sor.u32 s6, s5;
	s19 =	sshrl.u32 s4, $0x1;
	[dreg:$0x19] =	wrdreg s18  }
0x14: {  	[dreg:$0x1a] =	wrdreg s20;
	s23 =	simm.s32 $0xB100;
	s24 =	simm.s32 $0xB900  }
0x15: {  	s25 =	simm.s32 $0xC900;
	s8 =	simm.s32 $0x100;
	s26 =	simm.s32 $0xD100  }
0x16: {  	s9 =	simm.s32 $0x2;
	s10 =	simm.s32 $0xC100;
	s13 =	simm.s32 $0xE900  }
0x17: {  	s14 =	simm.s32 $0xF100;
	s15 =	simm.s32 $0xF900;
	[dreg:$0x1d] =	wrdreg s23  }
0x18: {  	s16 =	simm.s32 $0x10100;
	s17 =	simm.s32 $0x10900;
	[dreg:$0x1e] =	wrdreg s24  }
0x19: {  	s18 =	simm.s32 $0x11100;
	s6 =	sadd.s32 s5, s1;
	[dreg:$0x1f] =	wrdreg s25  }
0x1a: {  	s5 =	smul.u32 $0x300, s5;
	[smem:$0x7FD] =	sst s26;
	s7 =	sadd.s32 $0xCC400, s6  }
0x1b: {  	s20 =	simm.s32 $0x12100;
	s6 =	sadd.s32 $0xCC600, s6;
	[dreg:$0x3] =	wrdreg s7  }
0x1c: {  	s23 =	simm.s32 $0x13900;
	[dreg:$0x4] =	wrdreg s6;
	s3 =	sadd.s32 s3, s5  }
0x1d: {  	s21 =	sadd.s32 s5, s1;
	s5 =	simm.s32 $0x2900;
	[dreg:$0x5] =	wrdreg s3  }
0x1e: {  	s24 =	simm.s32 $0x14100;
	s6 =	simm.s32 $0x3100;
	[dreg:$0xc] =	wrdreg s5  }
0x1f: {  	s25 =	simm.s32 $0x14900;
	s7 =	simm.s32 $0x3900;
	[dreg:$0xd] =	wrdreg s6  }
0x20: {  	s26 =	simm.s32 $0x15100;
	s22 =	sadd.s32 $0xBA00, s21;
	[dreg:$0xe] =	wrdreg s7  }
0x21: {  	s3 =	sadd.s32 $0xCC800, s1;
	s6 =	ssub.s32 s4, s19;
	s21 =	simm.s32 $0xA100  }
0x22: {  	s4 =	sadd.s32 $0xCC900, s1;
	s5 =	sadd.s32 $0xCCA00, s1;
	s7 =	simm.s32 $0x1  }
0x23: {  	v2 =	vlaneseq.u32;
	s19 =	simm.s32 $0x11900;
	s1 =	simm.s32 $0x17900;
	[dreg:$0x6] =	wrdreg s22  }
0x24: {  	vm0 =	vmmov $0xffff;
	v1 =	vshrl.u32 v2, $0x3;
	[dreg:$0x1b] =	wrdreg s21;
	s22 =	simm.s32 $0xA900;
	s6 =	smax.u32 s6, $0x1  }
0x25: {  	v0 =	vand.u32 $0x7, v2;
	v2 =	vor.u32 $0x8, v2;
	v1 =	vmul.u32 $0x8, v1;
	s21 =	simm.s32 $0x12900;
	[dreg:$0x1c] =	wrdreg s22;
	s22 =	simm.s32 $0x13100  }
.LBB2_1:
0x26: {  	s0 =	rddreg [dreg:$0x3]  }
0x27: {  	s11 =	rddreg [dreg:$0x4]  }
0x28: {  	[tilespmem:s2], [sflag:$0x1] =	stream.linear.gather [hbm4b:s0+s2], $0x40, $0x38;
	[tilespmem:$0x18100] =	vst v63  }
0x29: {  	s12 =	rddreg [dreg:$0x7]  }
0x2a: {  	[tilespmem:s12], [sflag:$0x2] =	stream.linear.gather [hbm4b:s11+s2], $0x40, $0x38;
	[tilespmem:$0x18100] =	vst v63  }
0x2b: {  	_ =	swait.ge [sflag:s7], $0x40  }
0x2c: {  	[sflag:s7] =	ssyncset.done $0x0  }
0x2d: {  	[sflag:s7] =	ssyncadd.s32 $0xFFFFFFC0  }
0x2e: {  	v3 =	vld [tilespmem:$0x0];
	_ =	sdelay $0x4  }
0x2f: {  	v4 =	vshrl.u32 v3, $0x3  }
0x30: {  	v4 =	vmul.u32 $0x30, v4  }
0x31: {  	v3 =	vand.u32 $0x7, v3  }
0x32: {  	v3 =	vor.u32 v3, v4  }
0x33: {  	v4 =	vperm.xlane v3, v0;
	_ =	sdelay $0x1  }
0x34: {  	v4 =	vadd.s32 v1, v4;
	_ =	sdelay $0x3  }
0x35: {  	v3 =	vperm.xlane v3, v2  }
0x36: {  	[tilespmem:s8], [sflag:$0x1] =	stream.indirect_vreg.gather [hbm4b:s3+s2], $0x80, v4, vm0, $0xb8;
	[tilespmem:$0x18100] =	vst v63  }
0x37: {  	s12 =	rddreg [dreg:$0x8];
	v3 =	vadd.s32 v1, v3  }
0x38: {  	[tilespmem:s12], [sflag:$0x1] =	stream.indirect_vreg.gather [hbm4b:s4+s2], $0x80, v4, vm0, $0xb8;
	[tilespmem:$0x18100] =	vst v63  }
0x39: {  	s11 =	rddreg [dreg:$0x9]  }
0x3a: {  	[tilespmem:s11], [sflag:$0x1] =	stream.indirect_vreg.gather [hbm4b:s5+s2], $0x80, v4, vm0, $0xb8;
	[tilespmem:$0x18100] =	vst v63  }
0x3b: {  	s12 =	rddreg [dreg:$0xa]  }
0x3c: {  	[tilespmem:s12], [sflag:$0x1] =	stream.indirect_vreg.gather [hbm4b:s3+s2], $0x80, v3, vm0, $0xb8;
	[tilespmem:$0x18100] =	vst v63  }
0x3d: {  	s11 =	rddreg [dreg:$0xb]  }
0x3e: {  	[tilespmem:s11], [sflag:$0x1] =	stream.indirect_vreg.gather [hbm4b:s4+s2], $0x80, v3, vm0, $0xb8;
	[tilespmem:$0x18100] =	vst v63  }
0x3f: {  	s12 =	rddreg [dreg:$0xc]  }
0x40: {  	[tilespmem:s12], [sflag:$0x1] =	stream.indirect_vreg.gather [hbm4b:s5+s2], $0x80, v3, vm0, $0xb8;
	[tilespmem:$0x18100] =	vst v63  }
0x41: {  	v3 =	vld [tilespmem:$0x10];
	_ =	sdelay $0x4  }
0x42: {  	v57 =	vshrl.u32 v3, $0x3  }
0x43: {  	v4 =	vmul.u32 $0x30, v57  }
0x44: {  	v3 =	vand.u32 $0x7, v3  }
0x45: {  	v3 =	vor.u32 v3, v4  }
0x46: {  	v4 =	vperm.xlane v3, v0;
	_ =	sdelay $0x1  }
0x47: {  	v4 =	vadd.s32 v1, v4;
	_ =	sdelay $0x3  }
0x48: {  	s11 =	rddreg [dreg:$0xd];
	v3 =	vperm.xlane v3, v2  }
0x49: {  	[tilespmem:s11], [sflag:$0x1] =	stream.indirect_vreg.gather [hbm4b:s3+s2], $0x80, v4, vm0, $0xb8;
	[tilespmem:$0x18100] =	vst v63  }
0x4a: {  	s12 =	rddreg [dreg:$0xe];
	v3 =	vadd.s32 v1, v3  }
0x4b: {  	[tilespmem:s12], [sflag:$0x1] =	stream.indirect_vreg.gather [hbm4b:s4+s2], $0x80, v4, vm0, $0xb8;
	[tilespmem:$0x18100] =	vst v63  }
0x4c: {  	s0 =	rddreg [dreg:$0xf]  }
0x4d: {  	[tilespmem:s0], [sflag:$0x1] =	stream.indirect_vreg.gather [hbm4b:s5+s2], $0x80, v4, vm0, $0xb8;
	[tilespmem:$0x18100] =	vst v63  }
0x4e: {  	s12 =	rddreg [dreg:$0x10]  }
0x4f: {  	[tilespmem:s12], [sflag:$0x1] =	stream.indirect_vreg.gather [hbm4b:s3+s2], $0x80, v3, vm0, $0xb8;
	[tilespmem:$0x18100] =	vst v63  }
0x50: {  	s0 =	rddreg [dreg:$0x11]  }
0x51: {  	[tilespmem:s0], [sflag:$0x1] =	stream.indirect_vreg.gather [hbm4b:s4+s2], $0x80, v3, vm0, $0xb8;
	[tilespmem:$0x18100] =	vst v63  }
0x52: {  	s12 =	rddreg [dreg:$0x12]  }
0x53: {  	[tilespmem:s12], [sflag:$0x1] =	stream.indirect_vreg.gather [hbm4b:s5+s2], $0x80, v3, vm0, $0xb8;
	[tilespmem:$0x18100] =	vst v63  }
0x54: {  	v3 =	vld [tilespmem:$0x20];
	_ =	sdelay $0x4  }
0x55: {  	v58 =	vshrl.u32 v3, $0x3  }
0x56: {  	v4 =	vmul.u32 $0x30, v58  }
0x57: {  	v3 =	vand.u32 $0x7, v3  }
0x58: {  	v3 =	vor.u32 v3, v4  }
0x59: {  	v4 =	vperm.xlane v3, v0;
	_ =	sdelay $0x1  }
0x5a: {  	v4 =	vadd.s32 v1, v4;
	_ =	sdelay $0x3  }
0x5b: {  	s11 =	rddreg [dreg:$0x13];
	v3 =	vperm.xlane v3, v2  }
0x5c: {  	[tilespmem:s11], [sflag:$0x1] =	stream.indirect_vreg.gather [hbm4b:s3+s2], $0x80, v4, vm0, $0xb8;
	[tilespmem:$0x18100] =	vst v63  }
0x5d: {  	s12 =	rddreg [dreg:$0x14];
	v3 =	vadd.s32 v1, v3  }
0x5e: {  	[tilespmem:s12], [sflag:$0x1] =	stream.indirect_vreg.gather [hbm4b:s4+s2], $0x80, v4, vm0, $0xb8;
	[tilespmem:$0x18100] =	vst v63  }
0x5f: {  	s0 =	rddreg [dreg:$0x15]  }
0x60: {  	[tilespmem:s0], [sflag:$0x1] =	stream.indirect_vreg.gather [hbm4b:s5+s2], $0x80, v4, vm0, $0xb8;
	[tilespmem:$0x18100] =	vst v63  }
0x61: {  	s12 =	rddreg [dreg:$0x16]  }
0x62: {  	[tilespmem:s12], [sflag:$0x1] =	stream.indirect_vreg.gather [hbm4b:s3+s2], $0x80, v3, vm0, $0xb8;
	[tilespmem:$0x18100] =	vst v63  }
0x63: {  	s0 =	rddreg [dreg:$0x17]  }
0x64: {  	[tilespmem:s0], [sflag:$0x1] =	stream.indirect_vreg.gather [hbm4b:s4+s2], $0x80, v3, vm0, $0xb8;
	[tilespmem:$0x18100] =	vst v63  }
0x65: {  	s12 =	rddreg [dreg:$0x18]  }
0x66: {  	[tilespmem:s12], [sflag:$0x1] =	stream.indirect_vreg.gather [hbm4b:s5+s2], $0x80, v3, vm0, $0xb8;
	[tilespmem:$0x18100] =	vst v63  }
0x67: {  	v3 =	vld [tilespmem:$0x30];
	_ =	sdelay $0x4  }
0x68: {  	v59 =	vshrl.u32 v3, $0x3  }
0x69: {  	v4 =	vmul.u32 $0x30, v59  }
0x6a: {  	v3 =	vand.u32 $0x7, v3  }
0x6b: {  	v3 =	vor.u32 v3, v4  }
0x6c: {  	v4 =	vperm.xlane v3, v0;
	_ =	sdelay $0x1  }
0x6d: {  	v4 =	vadd.s32 v1, v4;
	_ =	sdelay $0x3  }
0x6e: {  	s11 =	rddreg [dreg:$0x19];
	v3 =	vperm.xlane v3, v2  }
0x6f: {  	[tilespmem:s11], [sflag:$0x1] =	stream.indirect_vreg.gather [hbm4b:s3+s2], $0x80, v4, vm0, $0xb8;
	[tilespmem:$0x18100] =	vst v63  }
0x70: {  	s12 =	rddreg [dreg:$0x1a];
	v3 =	vadd.s32 v1, v3  }
0x71: {  	[tilespmem:s12], [sflag:$0x1] =	stream.indirect_vreg.gather [hbm4b:s4+s2], $0x80, v4, vm0, $0xb8;
	[tilespmem:$0x18100] =	vst v63  }
0x72: {  	s0 =	rddreg [dreg:$0x1b]  }
0x73: {  	[tilespmem:s0], [sflag:$0x1] =	stream.indirect_vreg.gather [hbm4b:s5+s2], $0x80, v4, vm0, $0xb8;
	[tilespmem:$0x18100] =	vst v63  }
0x74: {  	s12 =	rddreg [dreg:$0x1c]  }
0x75: {  	[tilespmem:s12], [sflag:$0x1] =	stream.indirect_vreg.gather [hbm4b:s3+s2], $0x80, v3, vm0, $0xb8;
	[tilespmem:$0x18100] =	vst v63  }
0x76: {  	s0 =	rddreg [dreg:$0x1d]  }
0x77: {  	[tilespmem:s0], [sflag:$0x1] =	stream.indirect_vreg.gather [hbm4b:s4+s2], $0x80, v3, vm0, $0xb8;
	[tilespmem:$0x18100] =	vst v63  }
0x78: {  	s12 =	rddreg [dreg:$0x1e]  }
0x79: {  	[tilespmem:s12], [sflag:$0x1] =	stream.indirect_vreg.gather [hbm4b:s5+s2], $0x80, v3, vm0, $0xb8;
	[tilespmem:$0x18100] =	vst v63  }
0x7a: {  	_ =	swait.ge [sflag:s9], $0x40  }
0x7b: {  	[sflag:s9] =	ssyncset.done $0x0  }
0x7c: {  	[sflag:s9] =	ssyncadd.s32 $0xFFFFFFC0  }
0x7d: {  	v3 =	vld [tilespmem:$0x80];
	_ =	sdelay $0x4  }
0x7e: {  	v60 =	vshrl.u32 v3, $0x3  }
0x7f: {  	v4 =	vmul.u32 $0x30, v60  }
0x80: {  	v3 =	vand.u32 $0x7, v3  }
0x81: {  	v3 =	vor.u32 v3, v4  }
0x82: {  	v4 =	vperm.xlane v3, v0;
	_ =	sdelay $0x1  }
0x83: {  	v4 =	vadd.s32 v1, v4;
	_ =	sdelay $0x3  }
0x84: {  	s11 =	rddreg [dreg:$0x1f];
	v3 =	vperm.xlane v3, v2  }
0x85: {  	[tilespmem:s10], [sflag:$0x2] =	stream.indirect_vreg.gather [hbm4b:s3+s2], $0x80, v4, vm0, $0xb8;
	[tilespmem:$0x18100] =	vst v63  }
0x86: {  	s12 =	sld [smem:$0x7FD];
	v3 =	vadd.s32 v1, v3  }
0x87: {  	[tilespmem:s11], [sflag:$0x2] =	stream.indirect_vreg.gather [hbm4b:s4+s2], $0x80, v4, vm0, $0xb8;
	[tilespmem:$0x18100] =	vst v63  }
0x88: {  	_ = 	snop  }
0x89: {  	[tilespmem:s12], [sflag:$0x2] =	stream.indirect_vreg.gather [hbm4b:s5+s2], $0x80, v4, vm0, $0xb8;
	[tilespmem:$0x18100] =	vst v63  }
0x8a: {  	s11 =	simm.s32 $0xD900  }
0x8b: {  	[tilespmem:s11], [sflag:$0x2] =	stream.indirect_vreg.gather [hbm4b:s3+s2], $0x80, v3, vm0, $0xb8;
	[tilespmem:$0x18100] =	vst v63  }
0x8c: {  	s12 =	simm.s32 $0xE100  }
0x8d: {  	[tilespmem:s12], [sflag:$0x2] =	stream.indirect_vreg.gather [hbm4b:s4+s2], $0x80, v3, vm0, $0xb8;
	[tilespmem:$0x18100] =	vst v63  }
0x8e: {  	_ = 	snop  }
0x8f: {  	[tilespmem:s13], [sflag:$0x2] =	stream.indirect_vreg.gather [hbm4b:s5+s2], $0x80, v3, vm0, $0xb8;
	[tilespmem:$0x18100] =	vst v63  }
0x90: {  	v3 =	vld [tilespmem:$0x90];
	_ =	sdelay $0x4  }
0x91: {  	v61 =	vshrl.u32 v3, $0x3  }
0x92: {  	v4 =	vmul.u32 $0x30, v61  }
0x93: {  	v3 =	vand.u32 $0x7, v3  }
0x94: {  	v3 =	vor.u32 v3, v4  }
0x95: {  	v4 =	vperm.xlane v3, v0;
	_ =	sdelay $0x1  }
0x96: {  	v4 =	vadd.s32 v1, v4;
	_ =	sdelay $0x3  }
0x97: {  	v3 =	vperm.xlane v3, v2  }
0x98: {  	[tilespmem:s14], [sflag:$0x2] =	stream.indirect_vreg.gather [hbm4b:s3+s2], $0x80, v4, vm0, $0xb8;
	[tilespmem:$0x18100] =	vst v63  }
0x99: {  	v3 =	vadd.s32 v1, v3  }
0x9a: {  	[tilespmem:s15], [sflag:$0x2] =	stream.indirect_vreg.gather [hbm4b:s4+s2], $0x80, v4, vm0, $0xb8;
	[tilespmem:$0x18100] =	vst v63  }
0x9b: {  	_ = 	snop  }
0x9c: {  	[tilespmem:s16], [sflag:$0x2] =	stream.indirect_vreg.gather [hbm4b:s5+s2], $0x80, v4, vm0, $0xb8;
	[tilespmem:$0x18100] =	vst v63  }
0x9d: {  	_ = 	snop  }
0x9e: {  	[tilespmem:s17], [sflag:$0x2] =	stream.indirect_vreg.gather [hbm4b:s3+s2], $0x80, v3, vm0, $0xb8;
	[tilespmem:$0x18100] =	vst v63  }
0x9f: {  	_ = 	snop  }
0xa0: {  	[tilespmem:s18], [sflag:$0x2] =	stream.indirect_vreg.gather [hbm4b:s4+s2], $0x80, v3, vm0, $0xb8;
	[tilespmem:$0x18100] =	vst v63  }
0xa1: {  	_ = 	snop  }
0xa2: {  	[tilespmem:s19], [sflag:$0x2] =	stream.indirect_vreg.gather [hbm4b:s5+s2], $0x80, v3, vm0, $0xb8;
	[tilespmem:$0x18100] =	vst v63  }
0xa3: {  	v3 =	vld [tilespmem:$0xA0];
	_ =	sdelay $0x4  }
0xa4: {  	v62 =	vshrl.u32 v3, $0x3  }
0xa5: {  	v4 =	vmul.u32 $0x30, v62  }
0xa6: {  	v3 =	vand.u32 $0x7, v3  }
0xa7: {  	v3 =	vor.u32 v3, v4  }
0xa8: {  	v4 =	vperm.xlane v3, v0;
	_ =	sdelay $0x1  }
0xa9: {  	v4 =	vadd.s32 v1, v4;
	_ =	sdelay $0x3  }
0xaa: {  	v3 =	vperm.xlane v3, v2  }
0xab: {  	[tilespmem:s20], [sflag:$0x2] =	stream.indirect_vreg.gather [hbm4b:s3+s2], $0x80, v4, vm0, $0xb8;
	[tilespmem:$0x18100] =	vst v63  }
0xac: {  	v3 =	vadd.s32 v1, v3  }
0xad: {  	[tilespmem:s21], [sflag:$0x2] =	stream.indirect_vreg.gather [hbm4b:s4+s2], $0x80, v4, vm0, $0xb8;
	[tilespmem:$0x18100] =	vst v63  }
0xae: {  	_ = 	snop  }
0xaf: {  	[tilespmem:s22], [sflag:$0x2] =	stream.indirect_vreg.gather [hbm4b:s5+s2], $0x80, v4, vm0, $0xb8;
	[tilespmem:$0x18100] =	vst v63  }
0xb0: {  	_ = 	snop  }
0xb1: {  	[tilespmem:s23], [sflag:$0x2] =	stream.indirect_vreg.gather [hbm4b:s3+s2], $0x80, v3, vm0, $0xb8;
	[tilespmem:$0x18100] =	vst v63  }
0xb2: {  	_ = 	snop  }
0xb3: {  	[tilespmem:s24], [sflag:$0x2] =	stream.indirect_vreg.gather [hbm4b:s4+s2], $0x80, v3, vm0, $0xb8;
	[tilespmem:$0x18100] =	vst v63  }
0xb4: {  	_ = 	snop  }
0xb5: {  	[tilespmem:s25], [sflag:$0x2] =	stream.indirect_vreg.gather [hbm4b:s5+s2], $0x80, v3, vm0, $0xb8;
	[tilespmem:$0x18100] =	vst v63  }
0xb6: {  	v3 =	vld [tilespmem:$0xB0];
	_ =	sdelay $0x4  }
0xb7: {  	v63 =	vshrl.u32 v3, $0x3  }
0xb8: {  	v4 =	vmul.u32 $0x30, v63  }
0xb9: {  	v3 =	vand.u32 $0x7, v3  }
0xba: {  	v3 =	vor.u32 v3, v4  }
0xbb: {  	v4 =	vperm.xlane v3, v0;
	_ =	sdelay $0x1  }
0xbc: {  	v4 =	vadd.s32 v1, v4;
	_ =	sdelay $0x3  }
0xbd: {  	v3 =	vperm.xlane v3, v2  }
0xbe: {  	[tilespmem:s26], [sflag:$0x2] =	stream.indirect_vreg.gather [hbm4b:s3+s2], $0x80, v4, vm0, $0xb8;
	[tilespmem:$0x18100] =	vst v63  }
0xbf: {  	v3 =	vadd.s32 v1, v3  }
0xc0: {  	[tilespmem:s28], [sflag:$0x2] =	stream.indirect_vreg.gather [hbm4b:s4+s2], $0x80, v4, vm0, $0xb8;
	[tilespmem:$0x18100] =	vst v63  }
0xc1: {  	_ = 	snop  }
0xc2: {  	[tilespmem:s29], [sflag:$0x2] =	stream.indirect_vreg.gather [hbm4b:s5+s2], $0x80, v4, vm0, $0xb8;
	[tilespmem:$0x18100] =	vst v63  }
0xc3: {  	_ = 	snop  }
0xc4: {  	[tilespmem:s30], [sflag:$0x2] =	stream.indirect_vreg.gather [hbm4b:s3+s2], $0x80, v3, vm0, $0xb8;
	[tilespmem:$0x18100] =	vst v63  }
0xc5: {  	_ = 	snop  }
0xc6: {  	[tilespmem:s31], [sflag:$0x2] =	stream.indirect_vreg.gather [hbm4b:s4+s2], $0x80, v3, vm0, $0xb8;
	[tilespmem:$0x18100] =	vst v63  }
0xc7: {  	_ = 	snop  }
0xc8: {  	[tilespmem:s1], [sflag:$0x2] =	stream.indirect_vreg.gather [hbm4b:s5+s2], $0x80, v3, vm0, $0xb8;
	[tilespmem:$0x18100] =	vst v63  }
0xc9: {  	_ =	swait.ge [sflag:s7], $0xC000  }
0xca: {  	[sflag:s7] =	ssyncset.done $0x0  }
0xcb: {  	s11 =	rddreg [dreg:$0x5];
	[sflag:s7] =	ssyncadd.s32 $0xFFFF4000  }
0xcc: {  	[hbm4b:s11+s2] =	stream.linear.scatter [tilespmem:s8], [sflag:$0x1], $0xC000, $0x38;
	[tilespmem:$0x18100] =	vst v63  }
0xcd: {  	_ =	swait.ge [sflag:s9], $0xC000  }
0xce: {  	[sflag:s9] =	ssyncset.done $0x0  }
0xcf: {  	s12 =	rddreg [dreg:$0x6];
	[sflag:s9] =	ssyncadd.s32 $0xFFFF4000  }
0xd0: {  	[hbm4b:s12+s2] =	stream.linear.scatter [tilespmem:s10], [sflag:$0x2], $0xC000, $0x38;
	[tilespmem:$0x18100] =	vst v63  }
0xd1: {  	p0 =	sne.s32 s6, $0x1;
	_ =	swait.ge [sflag:s7], $0xC000  }
.Ltmp0:
0xd2: {  	[sflag:s7] =	ssyncset.done $0x0;
	(pc) =	sbr.rel @p0 .LBB2_1-.Ltmp0, $4  }
0xd3: {  	[sflag:s7] =	ssyncadd.s32 $0xFFFF4000  }
0xd4: {  	_ =	swait.ge [sflag:s9], $0xC000  }
0xd5: {  	[sflag:s9] =	ssyncset.done $0x0  }
0xd6: {  	s6 =	sadd.s32 $0xFFFFFFFF, s6;
	[sflag:s9] =	ssyncadd.s32 $0xFFFF4000  }
0xd7: {  	_ =	sfence.sel $0x180000  }
0xd8: {  	[bflag:$0x0] =	sbarrier.arrive $0xFFFF  }
0xd9: {  	_ =	strace $0x9000004A  }
0xda: {  	s0 =	stileid.u32;
	[bflag:$0x2] =	sbarrier.arrive $0xFFFF  }
0xdb: {  	p0 =	sne.s32 s0, $0x0;
	s0 =	rddreg [dreg:$0x2]  }
0xdc: {  	s0 =	sadd.s32 @!p0 $0x100000, s0  }
0xdd: {  	[sflag:s0] =	ssyncadd.tile.s32 @!p0 $0x1;
	_ =	shalt  }
.Lfunc_end2:
_tile_overlayer_lowered:
.L_overlay_start_2:
0xde: {  	(tag) =	ssettag $0x2  }
0xdf: {  	s0 =	rddreg [dreg:$0x0];
	s2 =	stileid.u32  }
0xe0: {  	s1 =	rddreg [dreg:$0x1];
	p0 =	sne.s32 s2, $0x0  }
0xe1: {  	s3 =	rddreg [dreg:$0x2];
	[bflag:$0x3] =	sbarrier.arrive $0xFFFF;
	s2 =	simm.s32 @!p0 $0x1C03  }
0xe2: {  	[timem:s3], [sflag:s2] =	dma.local @!p0 [hbm:s0], s1  }
0xe3: {  	s0 =	simm.s32 @!p0 $0x3  }
0xe4: {  	_ =	swait.ge @!p0 [sflag:s0], s1  }
0xe5: {  	s1 =	ssub.s32 @!p0 $0x0, s1;
	[sflag:s0] =	ssyncset.done @!p0 $0x0  }
0xe6: {  	[sflag:s0] =	ssyncadd.s32 @!p0 s1  }
0xe7: {  	[bflag:$0x3] =	sbarrier.arrive $0xFFFF  }
0xe8: {  	_ =	shalt  }

// kernel: kernel.8.cloned.1.call-start
scs
__scs_entry_jumppad:
0x0: {  	(pc) =	sbr.rel $0x88, $3  }
0x1: {  	(tag) =	ssettag $0x0;
	lr =	simm.s32 $0x1  }
0x2: {  	[smem:$0x3F99] =	sst lr;
	_ =	strace $0xD0000000  }
0x3: {  	_ = 	snop  }
0x4: {  	_ = 	snop  }
0x5: {  	_ = 	snop  }
0x6: {  	_ = 	snop  }
0x7: {  	_ = 	snop  }
__scs_overlays_trampoline_lowered:
0x8: {  	[smem:$0x3FA8] =	sst s0  }
0x9: {  	[smem:$0x3FA9] =	sst s1  }
0xa: {  	[smem:$0x3FAA] =	sst s2  }
0xb: {  	[smem:$0x3FAB] =	sst s3  }
0xc: {  	[smem:$0x3FAC] =	sst s4  }
0xd: {  	[smem:$0x3FAD] =	sst s5  }
0xe: {  	[smem:$0x3FAE] =	sst s6  }
0xf: {  	[smem:$0x3FAF] =	sst s7  }
0x10: {  	[smem:$0x3FB0] =	sst s8  }
0x11: {  	[smem:$0x3FB1] =	sst s9;
	s0 =	simm.s32 @!p0 $0x0  }
0x12: {  	s1 =	sld [smem:$0x3F97];
	s0 =	simm.s32 @p0 $0x1  }
0x13: {  	[smem:$0x3FB2] =	sst s0;
	s0 =	simm.s32 @!p1 $0x0  }
0x14: {  	s2 =	sld [smem:$0x3F96];
	s0 =	simm.s32 @p1 $0x1  }
0x15: {  	[smem:$0x3FB3] =	sst s0;
	s0 =	simm.s32 @!p2 $0x0  }
0x16: {  	s3 =	sld [smem:$0x3FDB];
	s0 =	simm.s32 @p2 $0x1  }
0x17: {  	s4 =	simm.s32 $0x1BF5;
	[smem:$0x3FB5] =	sst s0  }
0x18: {  	s0 =	sld [smem:$0x3F98];
	_ =	swait.ge [sflag:s4], $0x0  }
0x19: {  	s7 =	sld [smem:$0x3F99]  }
0x1a: {  	s8 =	sadd.s32 $0xFFFFE003, lr  }
0x1b: {  	s9 =	sadd.s32 $0xFFFFFEF7, lr;
	s5 =	simm.s32 $0xFFFFFFFF;
	p2 =	slt.u32 s8, $0xFFFFF086  }
0x1c: {  	p1 =	slt.u32 s9, $0xF7A;
	s5 =	simm.s32 @!p2 $0x0  }
0x1d: {  	s5 =	simm.s32 @p1 $0x1;
	p0 =	seq.s32 s7, s2  }
0x1e: {  	s7 =	smul.u32 @!p0 $0xF7A, s2;
	p2 =	seq.s32 @!p0 s5, $0x0  }
0x1f: {  	s9 =	smul.u32 $0xF7A, s1;
	s8 =	simm.s32 @!p0 $0x1BF5;
	p2 =	por !p2, p0  }
0x20: {  	[sflag:s8] =	ssyncset.s32 @!p0 $0xFFFFF086;
	s6 =	sadd.s32 @!p0 s3, s7;
	s7 =	simm.s32 @!p0 $0x108  }
0x21: {  	s3 =	sadd.s32 s3, s9;
	s6 =	sadd.s32 @!p0 $0x88, s6;
	s7 =	simm.s32 @p2 $0x1082  }
0x22: {  	[simem:s7], [sflag:s8] =	dma.local @!p0 [hbm:s6], $0xF7A  }
0x23: {  	s9 =	sor.u32 $0xD0000000, s2;
	s6 =	simm.s32 $0x108;
	_ =	swait.ge @!p0 [sflag:s8], $0x0  }
0x24: {  	s3 =	sadd.s32 $0x88, s3;
	s6 =	simm.s32 @!p1 $0x1082;
	[sflag:s4] =	ssyncset.s32 $0xFFFFF086  }
0x25: {  	[simem:s6], [sflag:s4] =	dma.local [hbm:s3], $0xF7A  }
0x26: {  	[smem:$0x3F99] =	sst s1;
	(tag) =	ssettag s2;
	_ =	strace s9  }
0x27: {  	s1 =	sld [smem:$0x3FA9]  }
0x28: {  	s2 =	sld [smem:$0x3FAA]  }
0x29: {  	s4 =	sld [smem:$0x3FAC]  }
0x2a: {  	p0 =	seq.s32 s5, $0x0;
	s5 =	sld [smem:$0x3FAD]  }
0x2b: {  	s6 =	sld [smem:$0x3FAE]  }
0x2c: {  	s7 =	sld [smem:$0x3FAF]  }
0x2d: {  	s3 =	simm.s32 $0x108;
	s8 =	sld [smem:$0x3FB0]  }
0x2e: {  	s3 =	simm.s32 @!p0 $0x1082;
	s9 =	sld [smem:$0x3FB1]  }
0x2f: {  	lr =	sadd.s32 s0, s3;
	s0 =	sld [smem:$0x3FA8]  }
0x30: {  	s3 =	sld [smem:$0x3FAB]  }
0x31: {  	[smem:$0x3FB4] =	sst s10  }
0x32: {  	s10 =	sld [smem:$0x3FB2];
	_ =	sdelay $0x3  }
0x33: {  	p0 =	seq.s32 s10, $0x1;
	s10 =	sld [smem:$0x3FB4];
	_ =	sdelay $0x3  }
0x34: {  	[smem:$0x3FB4] =	sst s10  }
0x35: {  	s10 =	sld [smem:$0x3FB3];
	_ =	sdelay $0x3  }
0x36: {  	p1 =	seq.s32 s10, $0x1;
	s10 =	sld [smem:$0x3FB4];
	_ =	sdelay $0x3  }
0x37: {  	[smem:$0x3FB4] =	sst s10  }
0x38: {  	s10 =	sld [smem:$0x3FB5]  }
0x39: {  	_ = 	snop;
	(pc) =	sbr.ind lr, $3  }
0x3a: {  	_ = 	snop  }
0x3b: {  	_ = 	snop  }
0x3c: {  	p2 =	seq.s32 s10, $0x1;
	s10 =	sld [smem:$0x3FB4]  }
0x3d: {  	_ =	shalt  }
0x3e: {  	_ =	shalt  }
0x3f: {  	_ =	shalt  }
0x40: {  	_ =	shalt  }
0x41: {  	_ =	shalt  }
0x42: {  	_ =	shalt  }
0x43: {  	_ =	shalt  }
0x44: {  	_ =	shalt  }
0x45: {  	_ =	shalt  }
0x46: {  	_ =	shalt  }
0x47: {  	_ =	shalt  }
0x48: {  	_ =	shalt  }
0x49: {  	_ =	shalt  }
0x4a: {  	_ =	shalt  }
0x4b: {  	_ =	shalt  }
0x4c: {  	_ =	shalt  }
0x4d: {  	_ =	shalt  }
0x4e: {  	_ =	shalt  }
0x4f: {  	_ =	shalt  }
0x50: {  	_ =	shalt  }
0x51: {  	_ =	shalt  }
0x52: {  	_ =	shalt  }
0x53: {  	_ =	shalt  }
0x54: {  	_ =	shalt  }
0x55: {  	_ =	shalt  }
0x56: {  	_ =	shalt  }
0x57: {  	_ =	shalt  }
0x58: {  	_ =	shalt  }
0x59: {  	_ =	shalt  }
0x5a: {  	_ =	shalt  }
0x5b: {  	_ =	shalt  }
0x5c: {  	_ =	shalt  }
0x5d: {  	_ =	shalt  }
0x5e: {  	_ =	shalt  }
0x5f: {  	_ =	shalt  }
0x60: {  	_ =	shalt  }
0x61: {  	_ =	shalt  }
0x62: {  	_ =	shalt  }
0x63: {  	_ =	shalt  }
0x64: {  	_ =	shalt  }
0x65: {  	_ =	shalt  }
0x66: {  	_ =	shalt  }
0x67: {  	_ =	shalt  }
0x68: {  	_ =	shalt  }
0x69: {  	_ =	shalt  }
0x6a: {  	_ =	shalt  }
0x6b: {  	_ =	shalt  }
0x6c: {  	_ =	shalt  }
0x6d: {  	_ =	shalt  }
0x6e: {  	_ =	shalt  }
0x6f: {  	_ =	shalt  }
0x70: {  	_ =	shalt  }
0x71: {  	_ =	shalt  }
0x72: {  	_ =	shalt  }
0x73: {  	_ =	shalt  }
0x74: {  	_ =	shalt  }
0x75: {  	_ =	shalt  }
0x76: {  	_ =	shalt  }
0x77: {  	_ =	shalt  }
0x78: {  	_ =	shalt  }
0x79: {  	_ =	shalt  }
0x7a: {  	_ =	shalt  }
0x7b: {  	_ =	shalt  }
0x7c: {  	_ =	shalt  }
0x7d: {  	_ =	shalt  }
0x7e: {  	_ =	shalt  }
0x7f: {  	_ =	shalt  }
0x80: {  	_ =	shalt  }
0x81: {  	_ =	shalt  }
0x82: {  	_ =	shalt  }
0x83: {  	_ =	shalt  }
0x84: {  	_ =	shalt  }
0x85: {  	_ =	shalt  }
0x86: {  	_ =	shalt  }
0x87: {  	_ =	shalt  }
.Lfunc_end0:
.L_simem_size_0:
called_computation_lowered:
.L_overlay_start_0:
0x88: {  	s2 =	sld [smem:$0x3FD9]  }
0x89: {  	s3 =	sld [smem:$0x3FFE];
	_ =	sdelay $0x1  }
0x8a: {  	s1 =	srdreg.scid  }
0x8b: {  	s0 =	sand.u32 $0x1, s1  }
0x8c: {  	s17 =	sshll.u32 s0, $0xA;
	s2 =	sadd.s32 s3, s2  }
0x8d: {  	s2 =	sadd.s32 s2, s17  }
0x8e: {  	[smem:$0x3FC0] =	sst s2  }
0x8f: {  	_ = 	snop  }
0x90: {  	s2 =	sld [smem:$0x3FC9]  }
0x91: {  	s18 =	sld [smem:$0x3FD0];
	(tm) =	ssettm $0x1  }
0x92: {  	s4 =	sld [smem:$0x3FFB];
	_ =	sdelay $0x3  }
0x93: {  	_ =	strace s4  }
0x94: {  	s4 =	sld [smem:$0x3FFC];
	_ =	sdelay $0x3  }
0x95: {  	_ =	strace s4  }
0x96: {  	s4 =	sld [smem:$0x3FFD];
	_ =	sdelay $0x3  }
0x97: {  	_ =	strace s4  }
0x98: {  	_ =	strace $0x8FFFFFFF  }
0x99: {  	s19 =	sld [smem:$0x3FDB];
	_ =	sdelay $0x1  }
0x9a: {  	s5 =	simm.s32 $_scs_section_size  }
0x9b: {  	s6 =	simm.s32 $_size__tile_overlayer_lowered;
	s7 =	simm.s32 $_tile_overlayer_lowered  }
0x9c: {  	s22 =	simm.s32 $0x1BFF;
	s21 =	sshll.u32 s7, $0x1;
	s4 =	sadd.s32 s5, s19  }
0x9d: {  	s8 =	simm.s32 $0x0;
	s20 =	sshll.u32 s6, $0x1;
	s6 =	sadd.s32 s21, s4  }
0x9e: {  	[timem:s8], [sflag:s22] =	dma.local [hbm:s6], s20  }
0x9f: {  	_ =	swait.ge [sflag:s22], s20  }
0xa0: {  	s5 =	ssub.s32 $0x0, s20;
	[sflag:s22] =	ssyncset.done $0x0  }
0xa1: {  	[sflag:s22] =	ssyncadd.s32 s5;
	_ =	sdelay $0x1  }
0xa2: {  	s23 =	simm.s32 $0x1B8B  }
0xa3: {  	_ =	swait.ge [sflag:s23], $0x1  }
0xa4: {  	[sflag:s23] =	ssyncset.done $0x0  }
0xa5: {  	s25 =	simm.s32 $0x1B8E;
	s24 =	sld [smem:$0x3FFE];
	[sflag:s23] =	ssyncadd.s32 $0xFFFFFFFF  }
0xa6: {  	s26 =	simm.s32 $execute0_lowered;
	[smem:$0x3FD2] =	sst s25  }
0xa7: {  	s6 =	sshll.u32 s26, $0x1;
	_ =	strace $0x80000046;
	[dreg:$0x1] =	wrdreg $0xFFFFFFFF  }
0xa8: {  	s28 =	simm.s32 $_size_execute0_lowered;
	s4 =	sadd.s32 s4, s6;
	[dreg:$0x0] =	wrdreg $0x0  }
0xa9: {  	s6 =	sshll.u32 s28, $0x1;
	[dreg:$0x2] =	wrdreg s4  }
0xaa: {  	[dreg:$0x3] =	wrdreg s6  }
0xab: {  	[dreg:$0x4] =	wrdreg $0xC0  }
0xac: {  	_ =	task [dreg:s8], $0x5FFFF  }
0xad: {  	[dreg:$0x1] =	wrdreg $0xFFFFFFFF  }
0xae: {  	[dreg:$0x0] =	wrdreg $0x60  }
0xaf: {  	[dreg:$0x2] =	wrdreg s2  }
0xb0: {  	[dreg:$0x3] =	wrdreg s18  }
0xb1: {  	[dreg:$0x4] =	wrdreg s24  }
0xb2: {  	[dreg:$0x5] =	wrdreg $0x9  }
0xb3: {  	_ =	task.clear_ibuf [dreg:s8], $0x6FFFF;
	_ =	strace $0x90000046  }
0xb4: {  	s29 =	simm.s32 $0x9;
	_ =	strace $0x80000048  }
0xb5: {  	_ =	swait.ge [sflag:s29], $0x1  }
0xb6: {  	[sflag:s29] =	ssyncadd.s32 $0xFFFFFFFF  }
0xb7: {  	_ =	strace $0x90000048  }
0xb8: {  	_ =	sfence  }
0xb9: {  	s30 =	sld [smem:$0x0];
	_ =	sdelay $0x2  }
0xba: {  	s31 =	sshll.u32 s1, $0xD;
	s1 =	sshrl.u32 s1, $0x2  }
0xbb: {  	s3 =	sand.u32 $0x4000, s31;
	s1 =	sadd.s32 s1, s30  }
0xbc: {  	s0 =	sor.u32 s3, s0;
	s1 =	sshll.u32 s1, $0x11  }
0xbd: {  	s0 =	sor.u32 s1, s0  }
0xbe: {  	s0 =	sadd.s32 $0x8F2B, s0  }
0xbf: {  	[sflag:s0] =	ssyncadd.remote.s32 $0x1  }
0xc0: {  	_ =	sfence.sel $0xFFFF  }
0xc1: {  	[dreg:$0x0] =	wrdreg $0xFFFFFFFF;
	(pc) =	sbr.abs _section_cstart, $3  }
0xc2: {  	[dreg:$0x1] =	wrdreg $0xFFFFFFFF  }
0xc3: {  	_ =	task.clear_ibuf [dreg:s8], $0x2FFFF;
	_ =	strace $0x9FFFFFFF  }
0xc4: {  	(tm) =	ssettm $0x7FFFFFFF  }
0xc5: {  	_ =	shalt  }
tec
execute0_lowered:
.L_overlay_start_1:
0x0: {  	(tag) =	ssettag $0x1  }
0x1: {  	s0 =	rddreg [dreg:$0x0]  }
0x2: {  	s1 =	rddreg [dreg:$0x1]  }
0x3: {  	s6 =	rddreg [dreg:$0x2]  }
0x4: {  	s3 =	srdreg.scid;
	s4 =	stileid.u32;
	s2 =	simm.s32 $0x0  }
0x5: {  	s21 =	simm.s32 $0x800;
	s22 =	simm.s32 $0x880;
	s23 =	simm.s32 $0x900  }
0x6: {  	s24 =	simm.s32 $0x980;
	[smem:$0x7FF] =	sst s2;
	s9 =	sadd.s32 $0xC000, s6  }
0x7: {  	s10 =	sadd.s32 $0xC200, s6;
	_ =	strace $0x80000047;
	[dreg:$0x4] =	wrdreg s9  }
0x8: {  	s25 =	simm.s32 $0xA00;
	s20 =	sadd.s32 $0xC208, s6;
	[dreg:$0x5] =	wrdreg s10  }
0x9: {  	s26 =	simm.s32 $0xA80;
	s28 =	simm.s32 $0x5B00;
	[dreg:$0xd] =	wrdreg s20  }
0xa: {  	s29 =	simm.s32 $0x6300;
	s30 =	simm.s32 $0x6B00;
	[dreg:$0xe] =	wrdreg s21  }
0xb: {  	s3 =	sand.u32 $0x1, s3;
	s4 =	sshll.u32 s4, $0x1;
	[dreg:$0xf] =	wrdreg s22  }
0xc: {  	s31 =	simm.s32 $0x7300;
	s7 =	sor.u32 s3, s4;
	[dreg:$0x10] =	wrdreg s23  }
0xd: {  	s16 =	ssub.s32 $0x2, s3;
	s3 =	sadd.s32 $0xC400, s6;
	[dreg:$0x11] =	wrdreg s24  }
0xe: {  	s4 =	sadd.s32 $0xC500, s6;
	s9 =	simm.s32 $0x1;
	[dreg:$0x12] =	wrdreg s25  }
0xf: {  	s10 =	simm.s32 $0x2;
	[dreg:$0x13] =	wrdreg s26;
	s22 =	simm.s32 $0x3300  }
0x10: {  	s23 =	simm.s32 $0x3B00;
	s24 =	simm.s32 $0x4300;
	s25 =	simm.s32 $0x4B00  }
0x11: {  	s26 =	simm.s32 $0x5300;
	s5 =	smul.u32 $0x1800, s7;
	s8 =	sshll.u32 s7, $0x3  }
0x12: {  	s18 =	sshrl.u32 s16, $0x1;
	p0 =	sne.s32 s7, $0x0;
	s7 =	simm.s32 $0xAB00  }
0x13: {  	s11 =	sadd.s32 s8, s6;
	s12 =	sadd.s32 s1, s8;
	s1 =	ssub.s32 s16, s18  }
0x14: {  	s8 =	simm.s32 $0xB00;
	s0 =	sadd.s32 s0, s5;
	[dreg:$0x7] =	wrdreg s12  }
0x15: {  	s16 =	simm.s32 $0x9B00;
	s13 =	sadd.s32 $0xBC00, s11;
	[dreg:$0x6] =	wrdreg s0  }
0x16: {  	s14 =	sadd.s32 $0xBA00, s11;
	s15 =	sadd.s32 $0xBE00, s11;
	[dreg:$0x8] =	wrdreg s13  }
0x17: {  	s17 =	sadd.s32 $0xCC400, s11;
	s19 =	sadd.s32 $0xCC600, s11;
	[dreg:$0x9] =	wrdreg s14  }
0x18: {  	v2 =	vlaneseq.u32;
	s5 =	sadd.s32 $0xC600, s6;
	s6 =	smax.u32 s1, $0x1;
	[dreg:$0xa] =	wrdreg s15  }
0x19: {  	vm0 =	vmmov $0xffff;
	v3 =	vmul.u32 $0x200, v2;
	s1 =	simm.s32 $0x8300;
	s11 =	simm.s32 $0xB300;
	[dreg:$0xb] =	wrdreg s17  }
0x1a: {  	v4 =	vimm.s32 $0x0;
	v1 =	vshrl.u32 v2, $0x3;
	v0 =	vand.u32 $0x7, v2;
	s12 =	simm.s32 $0xBB00;
	[dreg:$0xc] =	wrdreg s19;
	s14 =	simm.s32 $0x8B00  }
0x1b: {  	v2 =	vor.u32 $0x8, v2;
	v1 =	vmul.u32 $0x8, v1;
	v3 =	vor.u32 $0x1, v3;
	s15 =	simm.s32 $0x9300;
	s17 =	simm.s32 $0xA300;
	s13 =	simm.s32 $0xC300  }
.LBB2_1:
0x1c: {  	s18 =	rddreg [dreg:$0x6]  }
0x1d: {  	[tilespmem:s8], [sflag:$0x3] =	stream.linear.gather [hbm4b:s18+s2], $0xC000, $0x38;
	[tilespmem:$0xCC00] =	vst v63  }
0x1e: {  	s19 =	rddreg [dreg:$0x4];
	s0 =	simm.s32 $0x6  }
0x1f: {  	[tilespmem:s2], [sflag:$0x6] =	stream.linear.gather [hbm4b:s19+s2], $0x800, $0x38;
	[tilespmem:$0xCC00] =	vst v63  }
0x20: {  	_ =	swait.ge [sflag:s0], $0x800  }
0x21: {  	[sflag:s0] =	ssyncset.done $0x0  }
0x22: {  	[sflag:s0] =	ssyncadd.s32 $0xFFFFF800  }
0x23: {  	v6 =	vld [tilespmem:$0x0]  }
0x24: {  	v7 =	vld [tilespmem:$0x80]  }
0x25: {  	v8 =	vld [tilespmem:$0x100]  }
0x26: {  	s19 =	rddreg [dreg:$0x7];
	v9 =	vld [tilespmem:$0x180]  }
0x27: {  	s20 =	rddreg [dreg:$0x8];
	v11 =	vld [tilespmem:$0x200]  }
0x28: {  	s21 =	rddreg [dreg:$0xf];
	v12 =	vld [tilespmem:$0x280]  }
0x29: {  	s0 =	rddreg [dreg:$0xe];
	v13 =	vld [tilespmem:$0x300]  }
0x2a: {  	v5 =	vld [tilespmem:$0x380];
	[tilespmem:s0], [sflag:$0x1] =	stream.linear.gather [hbm4b:s19+s2], $0x40, $0x38  }
0x2b: {  	s19 =	rddreg [dreg:$0x9]  }
0x2c: {  	s0 =	rddreg [dreg:$0x11]  }
0x2d: {  	[tilespmem:s21], [sflag:$0x2] =	stream.linear.gather [hbm4b:s20+s2], $0x40, $0x38;
	[tilespmem:$0xCC00] =	vst v63  }
0x2e: {  	s20 =	rddreg [dreg:$0x10]  }
0x2f: {  	[tilespmem:s20], [sflag:$0x4] =	stream.linear.gather [hbm4b:s19+s2], $0x40, $0x38;
	[tilespmem:$0xCC00] =	vst v63  }
0x30: {  	s21 =	rddreg [dreg:$0xa]  }
0x31: {  	[tilespmem:s0], [sflag:$0x5] =	stream.linear.gather [hbm4b:s21+s2], $0x40, $0x38;
	[tilespmem:$0xCC00] =	vst v63  }
0x32: {  	_ =	swait.ge [sflag:s9], $0x40  }
0x33: {  	[sflag:s9] =	ssyncset.done $0x0  }
0x34: {  	[sflag:s9] =	ssyncadd.s32 $0xFFFFFFC0  }
0x35: {  	_ =	swait.ge [sflag:s10], $0x40  }
0x36: {  	[sflag:s10] =	ssyncset.done $0x0  }
0x37: {  	v6 =	vadd.s32 $0x1FF, v6;
	v10 =	vadd.s32 $0x1FF, v7;
	[sflag:s10] =	ssyncadd.s32 $0xFFFFFFC0  }
0x38: {  	v8 =	vadd.s32 $0x1FF, v8;
	v7 =	vand.u32 $0xFFFFFE00, v6;
	v6 =	vand.u32 $0xFFFFFE00, v10;
	v14 =	vld [tilespmem:$0x800]  }
0x39: {  	v9 =	vadd.s32 $0x1FF, v9;
	v10 =	vadd.s32 v7, v6;
	v6 =	vand.u32 $0xFFFFFE00, v8;
	v16 =	vld [tilespmem:$0x810]  }
0x3a: {  	v21 =	vadd.s32 $0x1FF, v11;
	v8 =	vadd.s32 v6, v10;
	v6 =	vand.u32 $0xFFFFFE00, v9;
	v15 =	vld [tilespmem:$0x880]  }
0x3b: {  	v12 =	vadd.s32 $0x1FF, v12;
	v11 =	vadd.s32 v6, v8;
	v6 =	vand.u32 $0xFFFFFE00, v21;
	v18 =	vld [tilespmem:$0x820]  }
0x3c: {  	v22 =	vadd.s32 $0x1FF, v13;
	v9 =	vadd.s32 v6, v11;
	v6 =	vand.u32 $0xFFFFFE00, v12;
	v17 =	vld [tilespmem:$0x890]  }
0x3d: {  	v12 =	vand.u32 $0xFFFFFE00, v22;
	v6 =	vadd.s32 v6, v9;
	v39 =	vld [tilespmem:$0x830]  }
0x3e: {  	v12 =	vadd.s32 v12, v6;
	vm1 =	veq.s32 v14, $0x1;
	vm2 =	veq.s32 v16, $0x1  }
0x3f: {  	v20 =	vld [tilespmem:$0x8B0];
	v23 =	vnsel vm1, $0x0, v7;
	vm1 =	veq.s32 v14, $0x2;
	v29 =	vnsel vm2, $0x0, v7  }
0x40: {  	vm2 =	veq.s32 v18, $0x1;
	v13 =	vadd.s32 v15, v23;
	v24 =	vnsel vm1, $0x0, v10  }
0x41: {  	vm1 =	veq.s32 v14, $0x3;
	v15 =	vadd.s32 v17, v29;
	v37 =	vnsel vm2, $0x0, v7  }
0x42: {  	vm2 =	veq.s32 v39, $0x1;
	v13 =	vadd.s32 v24, v13;
	v25 =	vnsel vm1, $0x0, v8  }
0x43: {  	vm1 =	veq.s32 v14, $0x4;
	v46 =	vnsel vm2, $0x0, v7;
	v13 =	vadd.s32 v25, v13  }
0x44: {  	v26 =	vnsel vm1, $0x0, v11;
	vm1 =	veq.s32 v14, $0x5;
	v17 =	vadd.s32 v20, v46  }
0x45: {  	v13 =	vadd.s32 v26, v13;
	v27 =	vnsel vm1, $0x0, v9;
	vm1 =	veq.s32 v14, $0x6  }
0x46: {  	v13 =	vadd.s32 v27, v13;
	v28 =	vnsel vm1, $0x0, v6;
	vm1 =	veq.s32 v14, $0x7  }
0x47: {  	v13 =	vadd.s32 v28, v13;
	v14 =	vnsel vm1, $0x0, v12;
	vm1 =	veq.s32 v16, $0x2  }
0x48: {  	v19 =	vld [tilespmem:$0x8A0];
	v30 =	vnsel vm1, $0x0, v10;
	vm1 =	veq.s32 v16, $0x3;
	v13 =	vadd.s32 v14, v13  }
0x49: {  	v15 =	vadd.s32 v30, v15;
	v31 =	vnsel vm1, $0x0, v8;
	vm1 =	veq.s32 v16, $0x4  }
0x4a: {  	v15 =	vadd.s32 v31, v15;
	v32 =	vnsel vm1, $0x0, v11;
	vm1 =	veq.s32 v16, $0x5  }
0x4b: {  	v15 =	vadd.s32 v32, v15;
	v33 =	vnsel vm1, $0x0, v9;
	vm1 =	veq.s32 v16, $0x6  }
0x4c: {  	v34 =	vadd.s32 v33, v15;
	v35 =	vnsel vm1, $0x0, v6;
	vm1 =	veq.s32 v16, $0x7  }
0x4d: {  	v16 =	vadd.s32 v19, v37;
	v36 =	vnsel vm1, $0x0, v12;
	vm1 =	veq.s32 v18, $0x2  }
0x4e: {  	v14 =	vadd.s32 v35, v34;
	v38 =	vnsel vm1, $0x0, v10;
	vm1 =	veq.s32 v18, $0x3  }
0x4f: {  	v14 =	vadd.s32 v36, v14;
	v40 =	vnsel vm1, $0x0, v8;
	vm1 =	veq.s32 v18, $0x4  }
0x50: {  	v16 =	vadd.s32 v38, v16;
	v41 =	vnsel vm1, $0x0, v11;
	vm1 =	veq.s32 v18, $0x5  }
0x51: {  	v16 =	vadd.s32 v40, v16;
	v42 =	vnsel vm1, $0x0, v9;
	vm1 =	veq.s32 v18, $0x6  }
0x52: {  	v16 =	vadd.s32 v41, v16;
	v44 =	vnsel vm1, $0x0, v6;
	vm1 =	veq.s32 v18, $0x7  }
0x53: {  	v43 =	vadd.s32 v42, v16;
	v45 =	vnsel vm1, $0x0, v12;
	vm1 =	veq.s32 v39, $0x2  }
0x54: {  	v15 =	vadd.s32 v44, v43;
	v47 =	vnsel vm1, $0x0, v10;
	vm1 =	veq.s32 v39, $0x3  }
0x55: {  	v17 =	vadd.s32 v47, v17;
	v48 =	vnsel vm1, $0x0, v8;
	vm1 =	veq.s32 v39, $0x4  }
0x56: {  	v17 =	vadd.s32 v48, v17;
	v49 =	vnsel vm1, $0x0, v11;
	vm1 =	veq.s32 v39, $0x5  }
0x57: {  	v17 =	vadd.s32 v49, v17;
	v50 =	vnsel vm1, $0x0, v9;
	vm1 =	veq.s32 v39, $0x6  }
0x58: {  	[tilespmem:$0xA00] =	vst v13;
	v51 =	vadd.s32 v50, v17;
	v52 =	vnsel vm1, $0x0, v6;
	vm1 =	veq.s32 v39, $0x7  }
0x59: {  	[tilespmem:$0xA10] =	vst v14;
	v53 =	vadd.s32 v45, v15;
	v13 =	vadd.s32 v52, v51;
	v54 =	vnsel vm1, $0x0, v12  }
0x5a: {  	[tilespmem:$0xA20] =	vst v53;
	v13 =	vadd.s32 v54, v13  }
0x5b: {  	s21 =	simm.s32 $0x4;
	[tilespmem:$0xA30] =	vst v13  }
0x5c: {  	_ =	swait.ge [sflag:s21], $0x40  }
0x5d: {  	[sflag:s21] =	ssyncset.done $0x0  }
0x5e: {  	s18 =	simm.s32 $0x5;
	[sflag:s21] =	ssyncadd.s32 $0xFFFFFFC0  }
0x5f: {  	_ =	swait.ge [sflag:s18], $0x40  }
0x60: {  	[sflag:s18] =	ssyncset.done $0x0  }
0x61: {  	[sflag:s18] =	ssyncadd.s32 $0xFFFFFFC0  }
0x62: {  	v55 =	vld [tilespmem:$0x900];
	_ =	sdelay $0x1  }
0x63: {  	v56 =	vld [tilespmem:$0x980];
	_ =	sdelay $0x2  }
0x64: {  	vm1 =	veq.s32 v55, $0x1;
	vm2 =	veq.s32 v55, $0x2  }
0x65: {  	v59 =	vld [tilespmem:$0x910];
	v57 =	vnsel vm1, $0x0, v7;
	v58 =	vnsel vm2, $0x0, v10;
	vm1 =	veq.s32 v55, $0x3  }
0x66: {  	v14 =	vadd.s32 v56, v57;
	v60 =	vnsel vm1, $0x0, v8;
	vm1 =	veq.s32 v55, $0x4  }
0x67: {  	v14 =	vadd.s32 v58, v14;
	v61 =	vnsel vm1, $0x0, v11;
	vm1 =	veq.s32 v55, $0x5  }
0x68: {  	v63 =	vld [tilespmem:$0x990];
	v14 =	vadd.s32 v60, v14;
	v62 =	vnsel vm1, $0x0, v9;
	vm1 =	veq.s32 v55, $0x6  }
0x69: {  	v14 =	vadd.s32 v61, v14;
	v20 =	vnsel vm1, $0x0, v6;
	vm1 =	veq.s32 v55, $0x7  }
0x6a: {  	v21 =	vadd.s32 v62, v14;
	v22 =	vnsel vm1, $0x0, v12;
	vm1 =	veq.s32 v59, $0x1  }
0x6b: {  	v13 =	vadd.s32 v20, v21;
	v23 =	vnsel vm1, $0x0, v7;
	vm1 =	veq.s32 v59, $0x2  }
0x6c: {  	v25 =	vld [tilespmem:$0x920];
	v13 =	vadd.s32 v22, v13;
	v24 =	vnsel vm1, $0x0, v10;
	vm1 =	veq.s32 v59, $0x3  }
0x6d: {  	v15 =	vadd.s32 v63, v23;
	v26 =	vnsel vm1, $0x0, v8;
	vm1 =	veq.s32 v59, $0x4  }
0x6e: {  	v14 =	vadd.s32 v24, v15;
	v27 =	vnsel vm1, $0x0, v11;
	vm1 =	veq.s32 v59, $0x5  }
0x6f: {  	v29 =	vld [tilespmem:$0x9A0];
	v14 =	vadd.s32 v26, v14;
	v28 =	vnsel vm1, $0x0, v9;
	vm1 =	veq.s32 v59, $0x6  }
0x70: {  	v14 =	vadd.s32 v27, v14;
	v30 =	vnsel vm1, $0x0, v6;
	vm1 =	veq.s32 v59, $0x7  }
0x71: {  	v14 =	vadd.s32 v28, v14;
	v17 =	vnsel vm1, $0x0, v12;
	vm1 =	veq.s32 v25, $0x1  }
0x72: {  	v14 =	vadd.s32 v30, v14;
	v31 =	vnsel vm1, $0x0, v7;
	vm1 =	veq.s32 v25, $0x2  }
0x73: {  	v33 =	vld [tilespmem:$0x930];
	v14 =	vadd.s32 v17, v14;
	v32 =	vnsel vm1, $0x0, v10;
	vm1 =	veq.s32 v25, $0x3  }
0x74: {  	v15 =	vadd.s32 v29, v31;
	v34 =	vnsel vm1, $0x0, v8;
	vm1 =	veq.s32 v25, $0x4  }
0x75: {  	v36 =	vld [tilespmem:$0x9B0];
	v15 =	vadd.s32 v32, v15;
	v35 =	vnsel vm1, $0x0, v11;
	vm1 =	veq.s32 v25, $0x5  }
0x76: {  	v15 =	vadd.s32 v34, v15;
	v37 =	vnsel vm1, $0x0, v9;
	vm1 =	veq.s32 v25, $0x6  }
0x77: {  	v15 =	vadd.s32 v35, v15;
	v38 =	vnsel vm1, $0x0, v6;
	vm1 =	veq.s32 v25, $0x7  }
0x78: {  	v15 =	vadd.s32 v37, v15;
	v16 =	vnsel vm1, $0x0, v12;
	vm1 =	veq.s32 v33, $0x1  }
0x79: {  	v15 =	vadd.s32 v38, v15;
	v39 =	vnsel vm1, $0x0, v7;
	vm1 =	veq.s32 v33, $0x2  }
0x7a: {  	v17 =	vadd.s32 v36, v39;
	v40 =	vnsel vm1, $0x0, v10;
	vm1 =	veq.s32 v33, $0x3  }
0x7b: {  	v17 =	vadd.s32 v40, v17;
	v41 =	vnsel vm1, $0x0, v8;
	vm1 =	veq.s32 v33, $0x4  }
0x7c: {  	v17 =	vadd.s32 v41, v17;
	v42 =	vnsel vm1, $0x0, v11;
	vm1 =	veq.s32 v33, $0x5  }
0x7d: {  	v17 =	vadd.s32 v42, v17;
	v43 =	vnsel vm1, $0x0, v9;
	vm1 =	veq.s32 v33, $0x6  }
0x7e: {  	[tilespmem:$0xA80] =	vst v13;
	v44 =	vadd.s32 v43, v17;
	v45 =	vnsel vm1, $0x0, v6;
	vm1 =	veq.s32 v33, $0x7  }
0x7f: {  	s19 =	rddreg [dreg:$0xb];
	[tilespmem:$0xA90] =	vst v14;
	v46 =	vadd.s32 v16, v15;
	v13 =	vadd.s32 v45, v44;
	v47 =	vnsel vm1, $0x0, v12  }
0x80: {  	s20 =	rddreg [dreg:$0x12];
	[tilespmem:$0xAA0] =	vst v46;
	v13 =	vadd.s32 v47, v13  }
0x81: {  	s21 =	rddreg [dreg:$0xc];
	[tilespmem:$0xAB0] =	vst v13  }
0x82: {  	[hbm4b:s19+s2] =	stream.linear.scatter [tilespmem:s20], [sflag:$0x1], $0x40, $0x38;
	[tilespmem:$0xCC00] =	vst v63  }
0x83: {  	s0 =	rddreg [dreg:$0x13]  }
0x84: {  	[hbm4b:s21+s2] =	stream.linear.scatter [tilespmem:s0], [sflag:$0x2], $0x40, $0x38;
	[tilespmem:$0xCC00] =	vst v63  }
0x85: {  	s21 =	simm.s32 $0x3  }
0x86: {  	_ =	swait.ge [sflag:s21], $0xC000  }
0x87: {  	[sflag:s21] =	ssyncset.done $0x0  }
0x88: {  	[sflag:s21] =	ssyncadd.s32 $0xFFFF4000  }
0x89: {  	_ =	swait.ge [sflag:s9], $0x40  }
0x8a: {  	[sflag:s9] =	ssyncset.done $0x0  }
0x8b: {  	[sflag:s9] =	ssyncadd.s32 $0xFFFFFFC0  }
0x8c: {  	_ =	swait.ge [sflag:s10], $0x40  }
0x8d: {  	[sflag:s10] =	ssyncset.done $0x0  }
0x8e: {  	[sflag:s10] =	ssyncadd.s32 $0xFFFFFFC0  }
0x8f: {  	v48 =	vld [tilespmem:$0xA00];
	_ =	sdelay $0x4  }
0x90: {  	v49 =	vshrl.u32 v48, $0x3  }
0x91: {  	v14 =	vmul.u32 $0x30, v49  }
0x92: {  	v13 =	vand.u32 $0x7, v48  }
0x93: {  	v13 =	vor.u32 v13, v14  }
0x94: {  	v14 =	vperm.xlane v13, v0;
	_ =	sdelay $0x1  }
0x95: {  	v14 =	vadd.s32 v1, v14;
	_ =	sdelay $0x3  }
0x96: {  	v13 =	vperm.xlane v13, v2  }
0x97: {  	[hbm4b:s3+s2] =	stream.indirect_vreg.scatter [tilespmem:s8], [sflag:$0x1], $0x80, v14, vm0, $0xb8;
	[tilespmem:$0xCC00] =	vst v63  }
0x98: {  	s18 =	simm.s32 $0x1300;
	v13 =	vadd.s32 v1, v13  }
0x99: {  	[hbm4b:s4+s2] =	stream.indirect_vreg.scatter [tilespmem:s18], [sflag:$0x1], $0x80, v14, vm0, $0xb8;
	[tilespmem:$0xCC00] =	vst v63  }
0x9a: {  	s19 =	simm.s32 $0x1B00  }
0x9b: {  	[hbm4b:s5+s2] =	stream.indirect_vreg.scatter [tilespmem:s19], [sflag:$0x1], $0x80, v14, vm0, $0xb8;
	[tilespmem:$0xCC00] =	vst v63  }
0x9c: {  	s20 =	simm.s32 $0x2300  }
0x9d: {  	[hbm4b:s3+s2] =	stream.indirect_vreg.scatter [tilespmem:s20], [sflag:$0x1], $0x80, v13, vm0, $0xb8;
	[tilespmem:$0xCC00] =	vst v63  }
0x9e: {  	s21 =	simm.s32 $0x2B00  }
0x9f: {  	[hbm4b:s4+s2] =	stream.indirect_vreg.scatter [tilespmem:s21], [sflag:$0x1], $0x80, v13, vm0, $0xb8;
	[tilespmem:$0xCC00] =	vst v63  }
0xa0: {  	_ = 	snop  }
0xa1: {  	[hbm4b:s5+s2] =	stream.indirect_vreg.scatter [tilespmem:s22], [sflag:$0x1], $0x80, v13, vm0, $0xb8;
	[tilespmem:$0xCC00] =	vst v63  }
0xa2: {  	v13 =	vld [tilespmem:$0xA10];
	_ =	sdelay $0x4  }
0xa3: {  	v50 =	vshrl.u32 v13, $0x3  }
0xa4: {  	v14 =	vmul.u32 $0x30, v50  }
0xa5: {  	v13 =	vand.u32 $0x7, v13  }
0xa6: {  	v13 =	vor.u32 v13, v14  }
0xa7: {  	v14 =	vperm.xlane v13, v0;
	_ =	sdelay $0x1  }
0xa8: {  	v14 =	vadd.s32 v1, v14;
	_ =	sdelay $0x3  }
0xa9: {  	v13 =	vperm.xlane v13, v2  }
0xaa: {  	[hbm4b:s3+s2] =	stream.indirect_vreg.scatter [tilespmem:s23], [sflag:$0x1], $0x80, v14, vm0, $0xb8;
	[tilespmem:$0xCC00] =	vst v63  }
0xab: {  	v13 =	vadd.s32 v1, v13  }
0xac: {  	[hbm4b:s4+s2] =	stream.indirect_vreg.scatter [tilespmem:s24], [sflag:$0x1], $0x80, v14, vm0, $0xb8;
	[tilespmem:$0xCC00] =	vst v63  }
0xad: {  	_ = 	snop  }
0xae: {  	[hbm4b:s5+s2] =	stream.indirect_vreg.scatter [tilespmem:s25], [sflag:$0x1], $0x80, v14, vm0, $0xb8;
	[tilespmem:$0xCC00] =	vst v63  }
0xaf: {  	_ = 	snop  }
0xb0: {  	[hbm4b:s3+s2] =	stream.indirect_vreg.scatter [tilespmem:s26], [sflag:$0x1], $0x80, v13, vm0, $0xb8;
	[tilespmem:$0xCC00] =	vst v63  }
0xb1: {  	_ = 	snop  }
0xb2: {  	[hbm4b:s4+s2] =	stream.indirect_vreg.scatter [tilespmem:s28], [sflag:$0x1], $0x80, v13, vm0, $0xb8;
	[tilespmem:$0xCC00] =	vst v63  }
0xb3: {  	_ = 	snop  }
0xb4: {  	[hbm4b:s5+s2] =	stream.indirect_vreg.scatter [tilespmem:s29], [sflag:$0x1], $0x80, v13, vm0, $0xb8;
	[tilespmem:$0xCC00] =	vst v63  }
0xb5: {  	v13 =	vld [tilespmem:$0xA20];
	_ =	sdelay $0x4  }
0xb6: {  	v51 =	vshrl.u32 v13, $0x3  }
0xb7: {  	v14 =	vmul.u32 $0x30, v51  }
0xb8: {  	v13 =	vand.u32 $0x7, v13  }
0xb9: {  	v13 =	vor.u32 v13, v14  }
0xba: {  	v14 =	vperm.xlane v13, v0;
	_ =	sdelay $0x1  }
0xbb: {  	v14 =	vadd.s32 v1, v14;
	_ =	sdelay $0x3  }
0xbc: {  	v13 =	vperm.xlane v13, v2  }
0xbd: {  	[hbm4b:s3+s2] =	stream.indirect_vreg.scatter [tilespmem:s30], [sflag:$0x1], $0x80, v14, vm0, $0xb8;
	[tilespmem:$0xCC00] =	vst v63  }
0xbe: {  	v13 =	vadd.s32 v1, v13  }
0xbf: {  	[hbm4b:s4+s2] =	stream.indirect_vreg.scatter [tilespmem:s31], [sflag:$0x1], $0x80, v14, vm0, $0xb8;
	[tilespmem:$0xCC00] =	vst v63  }
0xc0: {  	s0 =	simm.s32 $0x7B00  }
0xc1: {  	[hbm4b:s5+s2] =	stream.indirect_vreg.scatter [tilespmem:s0], [sflag:$0x1], $0x80, v14, vm0, $0xb8;
	[tilespmem:$0xCC00] =	vst v63  }
0xc2: {  	_ = 	snop  }
0xc3: {  	[hbm4b:s3+s2] =	stream.indirect_vreg.scatter [tilespmem:s1], [sflag:$0x1], $0x80, v13, vm0, $0xb8;
	[tilespmem:$0xCC00] =	vst v63  }
0xc4: {  	_ = 	snop  }
0xc5: {  	[hbm4b:s4+s2] =	stream.indirect_vreg.scatter [tilespmem:s14], [sflag:$0x1], $0x80, v13, vm0, $0xb8;
	[tilespmem:$0xCC00] =	vst v63  }
0xc6: {  	_ = 	snop  }
0xc7: {  	[hbm4b:s5+s2] =	stream.indirect_vreg.scatter [tilespmem:s15], [sflag:$0x1], $0x80, v13, vm0, $0xb8;
	[tilespmem:$0xCC00] =	vst v63  }
0xc8: {  	v13 =	vld [tilespmem:$0xA30];
	_ =	sdelay $0x4  }
0xc9: {  	v52 =	vshrl.u32 v13, $0x3  }
0xca: {  	v14 =	vmul.u32 $0x30, v52  }
0xcb: {  	v13 =	vand.u32 $0x7, v13  }
0xcc: {  	v13 =	vor.u32 v13, v14  }
0xcd: {  	v14 =	vperm.xlane v13, v0;
	_ =	sdelay $0x1  }
0xce: {  	v14 =	vadd.s32 v1, v14;
	_ =	sdelay $0x3  }
0xcf: {  	v13 =	vperm.xlane v13, v2  }
0xd0: {  	[hbm4b:s3+s2] =	stream.indirect_vreg.scatter [tilespmem:s16], [sflag:$0x1], $0x80, v14, vm0, $0xb8;
	[tilespmem:$0xCC00] =	vst v63  }
0xd1: {  	v13 =	vadd.s32 v1, v13  }
0xd2: {  	[hbm4b:s4+s2] =	stream.indirect_vreg.scatter [tilespmem:s17], [sflag:$0x1], $0x80, v14, vm0, $0xb8;
	[tilespmem:$0xCC00] =	vst v63  }
0xd3: {  	_ = 	snop  }
0xd4: {  	[hbm4b:s5+s2] =	stream.indirect_vreg.scatter [tilespmem:s7], [sflag:$0x1], $0x80, v14, vm0, $0xb8;
	[tilespmem:$0xCC00] =	vst v63  }
0xd5: {  	_ = 	snop  }
0xd6: {  	[hbm4b:s3+s2] =	stream.indirect_vreg.scatter [tilespmem:s11], [sflag:$0x1], $0x80, v13, vm0, $0xb8;
	[tilespmem:$0xCC00] =	vst v63  }
0xd7: {  	_ = 	snop  }
0xd8: {  	[hbm4b:s4+s2] =	stream.indirect_vreg.scatter [tilespmem:s12], [sflag:$0x1], $0x80, v13, vm0, $0xb8;
	[tilespmem:$0xCC00] =	vst v63  }
0xd9: {  	_ = 	snop  }
0xda: {  	[hbm4b:s5+s2] =	stream.indirect_vreg.scatter [tilespmem:s13], [sflag:$0x1], $0x80, v13, vm0, $0xb8;
	[tilespmem:$0xCC00] =	vst v63  }
0xdb: {  	v13 =	vld [tilespmem:$0xA80];
	_ =	sdelay $0x4  }
0xdc: {  	v53 =	vshrl.u32 v13, $0x3  }
0xdd: {  	v14 =	vmul.u32 $0x30, v53  }
0xde: {  	v13 =	vand.u32 $0x7, v13  }
0xdf: {  	v13 =	vor.u32 v13, v14  }
0xe0: {  	v14 =	vperm.xlane v13, v0;
	_ =	sdelay $0x1  }
0xe1: {  	v14 =	vadd.s32 v1, v14;
	_ =	sdelay $0x3  }
0xe2: {  	v13 =	vperm.xlane v13, v2  }
0xe3: {  	[hbm4b:s3+s2] =	stream.indirect_vreg.scatter [tilespmem:s8], [sflag:$0x2], $0x80, v14, vm0, $0xb8;
	[tilespmem:$0xCC00] =	vst v63  }
0xe4: {  	v13 =	vadd.s32 v1, v13  }
0xe5: {  	[hbm4b:s4+s2] =	stream.indirect_vreg.scatter [tilespmem:s18], [sflag:$0x2], $0x80, v14, vm0, $0xb8;
	[tilespmem:$0xCC00] =	vst v63  }
0xe6: {  	_ = 	snop  }
0xe7: {  	[hbm4b:s5+s2] =	stream.indirect_vreg.scatter [tilespmem:s19], [sflag:$0x2], $0x80, v14, vm0, $0xb8;
	[tilespmem:$0xCC00] =	vst v63  }
0xe8: {  	_ = 	snop  }
0xe9: {  	[hbm4b:s3+s2] =	stream.indirect_vreg.scatter [tilespmem:s20], [sflag:$0x2], $0x80, v13, vm0, $0xb8;
	[tilespmem:$0xCC00] =	vst v63  }
0xea: {  	_ = 	snop  }
0xeb: {  	[hbm4b:s4+s2] =	stream.indirect_vreg.scatter [tilespmem:s21], [sflag:$0x2], $0x80, v13, vm0, $0xb8;
	[tilespmem:$0xCC00] =	vst v63  }
0xec: {  	_ = 	snop  }
0xed: {  	[hbm4b:s5+s2] =	stream.indirect_vreg.scatter [tilespmem:s22], [sflag:$0x2], $0x80, v13, vm0, $0xb8;
	[tilespmem:$0xCC00] =	vst v63  }
0xee: {  	v13 =	vld [tilespmem:$0xA90];
	_ =	sdelay $0x4  }
0xef: {  	v54 =	vshrl.u32 v13, $0x3  }
0xf0: {  	v14 =	vmul.u32 $0x30, v54  }
0xf1: {  	v13 =	vand.u32 $0x7, v13  }
0xf2: {  	v13 =	vor.u32 v13, v14  }
0xf3: {  	v14 =	vperm.xlane v13, v0;
	_ =	sdelay $0x1  }
0xf4: {  	v14 =	vadd.s32 v1, v14;
	_ =	sdelay $0x3  }
0xf5: {  	v13 =	vperm.xlane v13, v2  }
0xf6: {  	[hbm4b:s3+s2] =	stream.indirect_vreg.scatter [tilespmem:s23], [sflag:$0x2], $0x80, v14, vm0, $0xb8;
	[tilespmem:$0xCC00] =	vst v63  }
0xf7: {  	v13 =	vadd.s32 v1, v13  }
0xf8: {  	[hbm4b:s4+s2] =	stream.indirect_vreg.scatter [tilespmem:s24], [sflag:$0x2], $0x80, v14, vm0, $0xb8;
	[tilespmem:$0xCC00] =	vst v63  }
0xf9: {  	_ = 	snop  }
0xfa: {  	[hbm4b:s5+s2] =	stream.indirect_vreg.scatter [tilespmem:s25], [sflag:$0x2], $0x80, v14, vm0, $0xb8;
	[tilespmem:$0xCC00] =	vst v63  }
0xfb: {  	_ = 	snop  }
0xfc: {  	[hbm4b:s3+s2] =	stream.indirect_vreg.scatter [tilespmem:s26], [sflag:$0x2], $0x80, v13, vm0, $0xb8;
	[tilespmem:$0xCC00] =	vst v63  }
0xfd: {  	_ = 	snop  }
0xfe: {  	[hbm4b:s4+s2] =	stream.indirect_vreg.scatter [tilespmem:s28], [sflag:$0x2], $0x80, v13, vm0, $0xb8;
	[tilespmem:$0xCC00] =	vst v63  }
0xff: {  	_ = 	snop  }
0x100: {  	[hbm4b:s5+s2] =	stream.indirect_vreg.scatter [tilespmem:s29], [sflag:$0x2], $0x80, v13, vm0, $0xb8;
	[tilespmem:$0xCC00] =	vst v63  }
0x101: {  	v13 =	vld [tilespmem:$0xAA0];
	_ =	sdelay $0x4  }
0x102: {  	v55 =	vshrl.u32 v13, $0x3  }
0x103: {  	v14 =	vmul.u32 $0x30, v55  }
0x104: {  	v13 =	vand.u32 $0x7, v13  }
0x105: {  	v13 =	vor.u32 v13, v14  }
0x106: {  	v14 =	vperm.xlane v13, v0;
	_ =	sdelay $0x1  }
0x107: {  	v14 =	vadd.s32 v1, v14;
	_ =	sdelay $0x3  }
0x108: {  	v13 =	vperm.xlane v13, v2  }
0x109: {  	[hbm4b:s3+s2] =	stream.indirect_vreg.scatter [tilespmem:s30], [sflag:$0x2], $0x80, v14, vm0, $0xb8;
	[tilespmem:$0xCC00] =	vst v63  }
0x10a: {  	v13 =	vadd.s32 v1, v13  }
0x10b: {  	[hbm4b:s4+s2] =	stream.indirect_vreg.scatter [tilespmem:s31], [sflag:$0x2], $0x80, v14, vm0, $0xb8;
	[tilespmem:$0xCC00] =	vst v63  }
0x10c: {  	_ = 	snop  }
0x10d: {  	[hbm4b:s5+s2] =	stream.indirect_vreg.scatter [tilespmem:s0], [sflag:$0x2], $0x80, v14, vm0, $0xb8;
	[tilespmem:$0xCC00] =	vst v63  }
0x10e: {  	_ = 	snop  }
0x10f: {  	[hbm4b:s3+s2] =	stream.indirect_vreg.scatter [tilespmem:s1], [sflag:$0x2], $0x80, v13, vm0, $0xb8;
	[tilespmem:$0xCC00] =	vst v63  }
0x110: {  	_ = 	snop  }
0x111: {  	[hbm4b:s4+s2] =	stream.indirect_vreg.scatter [tilespmem:s14], [sflag:$0x2], $0x80, v13, vm0, $0xb8;
	[tilespmem:$0xCC00] =	vst v63  }
0x112: {  	_ = 	snop  }
0x113: {  	[hbm4b:s5+s2] =	stream.indirect_vreg.scatter [tilespmem:s15], [sflag:$0x2], $0x80, v13, vm0, $0xb8;
	[tilespmem:$0xCC00] =	vst v63  }
0x114: {  	v13 =	vld [tilespmem:$0xAB0];
	_ =	sdelay $0x4  }
0x115: {  	v56 =	vshrl.u32 v13, $0x3  }
0x116: {  	v14 =	vmul.u32 $0x30, v56  }
0x117: {  	v13 =	vand.u32 $0x7, v13  }
0x118: {  	v13 =	vor.u32 v13, v14  }
0x119: {  	v14 =	vperm.xlane v13, v0;
	_ =	sdelay $0x1  }
0x11a: {  	v14 =	vadd.s32 v1, v14;
	_ =	sdelay $0x3  }
0x11b: {  	vm1 =	vlt.s32 v7, v3;
	v13 =	vperm.xlane v13, v2  }
0x11c: {  	v5 =	vadd.s32 $0x1FF, v5;
	v57 =	vsel vm1, $0x1, v4;
	vm1 =	vlt.s32 v10, v3;
	[hbm4b:s3+s2] =	stream.indirect_vreg.scatter [tilespmem:s16], [sflag:$0x2], $0x80, v14, vm0, $0xb8;
	[tilespmem:$0xCC00] =	vst v63  }
0x11d: {  	v10 =	vsel vm1, $0x1, v4;
	vm1 =	vlt.s32 v8, v3;
	v7 =	vadd.s32 v1, v13  }
0x11e: {  	v58 =	vadd.s32 v57, v10;
	v59 =	vsel vm1, $0x1, v4;
	vm1 =	vlt.s32 v11, v3;
	[hbm4b:s4+s2] =	stream.indirect_vreg.scatter [tilespmem:s17], [sflag:$0x2], $0x80, v14, vm0, $0xb8;
	[tilespmem:$0xCC00] =	vst v63  }
0x11f: {  	v8 =	vadd.s32 v59, v58;
	v60 =	vsel vm1, $0x1, v4;
	vm1 =	vlt.s32 v9, v3  }
0x120: {  	v5 =	vand.u32 $0xFFFFFE00, v5;
	v8 =	vadd.s32 v60, v8;
	v9 =	vsel vm1, $0x1, v4;
	[hbm4b:s5+s2] =	stream.indirect_vreg.scatter [tilespmem:s7], [sflag:$0x2], $0x80, v14, vm0, $0xb8;
	[tilespmem:$0xCC00] =	vst v63  }
0x121: {  	v5 =	vadd.s32 v5, v12;
	vm1 =	vlt.s32 v6, v3;
	v6 =	vadd.s32 v9, v8  }
0x122: {  	v61 =	vsel vm1, $0x1, v4;
	vm1 =	vlt.s32 v12, v3;
	v9 =	vlaneseq.u32 @p0;
	[hbm4b:s3+s2] =	stream.indirect_vreg.scatter [tilespmem:s11], [sflag:$0x2], $0x80, v7, vm0, $0xb8;
	[tilespmem:$0xCC00] =	vst v63  }
0x123: {  	v6 =	vadd.s32 v61, v6;
	v62 =	vsel vm1, $0x1, v4;
	vm1 =	vlt.s32 v5, v3  }
0x124: {  	v9 =	vmul.u32 @p0 $0x200, v9;
	v6 =	vadd.s32 v62, v6;
	v63 =	vsel vm1, $0x1, v4;
	[hbm4b:s4+s2] =	stream.indirect_vreg.scatter [tilespmem:s12], [sflag:$0x2], $0x80, v7, vm0, $0xb8;
	[tilespmem:$0xCC00] =	vst v63  }
0x125: {  	v6 =	vadd.s32 v63, v6  }
0x126: {  	vm1 =	vgt.s32 @p0 v5, v9;
	v6 =	vmin.u32 v6, $0x7;
	[hbm4b:s5+s2] =	stream.indirect_vreg.scatter [tilespmem:s13], [sflag:$0x2], $0x80, v7, vm0, $0xb8;
	v7 =	vimm.s32 @p0 $0x0;
	[tilespmem:$0xCC00] =	vst v63  }
0x127: {  	[tilespmem:$0xCB00] =	vst v6;
	v6 =	vsel @p0 vm1, $0x1, v7  }
0x128: {  	s18 =	rddreg [dreg:$0x5];
	s19 =	simm.s32 @!p0 $0x0;
	s20 =	simm.s32 @!p0 $0xCB00;
	[tilespmem:$0xCB80] =	vst @p0 v6  }
0x129: {  	v6 =	vlaneseq.u32 @!p0;
	[hbm4b:s18+s19] =	stream.linear.scatter @!p0 [tilespmem:s20], [sflag:$0x6], $0x10, $0x38;
	[tilespmem:$0xCC00] =	vst v63  }
0x12a: {  	s18 =	simm.s32 @!p0 $0x6;
	v6 =	vmul.u32 @!p0 $0x200, v6  }
0x12b: {  	_ =	swait.ge @!p0 [sflag:s18], $0x10  }
0x12c: {  	[sflag:s18] =	ssyncset.done @!p0 $0x0;
	vm1 =	vgt.s32 @!p0 v5, v6;
	v5 =	vimm.s32 @!p0 $0x0  }
0x12d: {  	[sflag:s18] =	ssyncadd.s32 @!p0 $0xFFFFFFF0;
	v5 =	vsel @!p0 vm1, $0x1, v5  }
0x12e: {  	s21 =	simm.s32 @!p0 $0xCB80;
	s20 =	rddreg [dreg:$0xd];
	[tilespmem:$0xCB80] =	vst @!p0 v5  }
0x12f: {  	[hbm4b:s20+s19] =	stream.linear.scatter @!p0 [tilespmem:s21], [sflag:$0x6], $0x10, $0x38;
	[tilespmem:$0xCC00] =	vst v63  }
0x130: {  	_ =	swait.ge @!p0 [sflag:s18], $0x10  }
0x131: {  	[sflag:s18] =	ssyncset.done @!p0 $0x0  }
0x132: {  	s6 =	sadd.s32 $0xFFFFFFFF, s6;
	[sflag:s18] =	ssyncadd.s32 @!p0 $0xFFFFFFF0  }
0x133: {  	p1 =	sne.s32 s6, $0x0;
	_ =	swait.ge [sflag:s9], $0xC000  }
.Ltmp0:
0x134: {  	[sflag:s9] =	ssyncset.done $0x0;
	(pc) =	sbr.rel @p1 .LBB2_1-.Ltmp0, $4  }
0x135: {  	[sflag:s9] =	ssyncadd.s32 $0xFFFF4000  }
0x136: {  	_ =	swait.ge [sflag:s10], $0xC000  }
0x137: {  	[sflag:s10] =	ssyncset.done $0x0  }
0x138: {  	[sflag:s10] =	ssyncadd.s32 $0xFFFF4000  }
0x139: {  	_ =	sfence.sel $0x180000  }
0x13a: {  	[bflag:$0x0] =	sbarrier.arrive $0xFFFF  }
0x13b: {  	_ =	strace $0x90000047  }
0x13c: {  	s0 =	stileid.u32;
	[bflag:$0x2] =	sbarrier.arrive $0xFFFF  }
0x13d: {  	p0 =	sne.s32 s0, $0x0;
	s0 =	rddreg [dreg:$0x3]  }
0x13e: {  	s0 =	sadd.s32 @!p0 $0x100000, s0  }
0x13f: {  	[sflag:s0] =	ssyncadd.tile.s32 @!p0 $0x1;
	_ =	shalt  }
.Lfunc_end2:
_tile_overlayer_lowered:
.L_overlay_start_2:
0x140: {  	(tag) =	ssettag $0x2  }
0x141: {  	s0 =	rddreg [dreg:$0x0];
	s2 =	stileid.u32  }
0x142: {  	s1 =	rddreg [dreg:$0x1];
	p0 =	sne.s32 s2, $0x0  }
0x143: {  	s3 =	rddreg [dreg:$0x2];
	[bflag:$0x3] =	sbarrier.arrive $0xFFFF;
	s2 =	simm.s32 @!p0 $0x1C06  }
0x144: {  	[timem:s3], [sflag:s2] =	dma.local @!p0 [hbm:s0], s1  }
0x145: {  	s0 =	simm.s32 @!p0 $0x6  }
0x146: {  	_ =	swait.ge @!p0 [sflag:s0], s1  }
0x147: {  	s1 =	ssub.s32 @!p0 $0x0, s1;
	[sflag:s0] =	ssyncset.done @!p0 $0x0  }
0x148: {  	[sflag:s0] =	ssyncadd.s32 @!p0 s1  }
0x149: {  	[bflag:$0x3] =	sbarrier.arrive $0xFFFF  }
0x14a: {  	_ =	shalt  }

</sc_bundles>
